<compile_context>
chip_gen: v7x
topology: tpu7x:2x2x1
jax: 0.10.2.dev20260603
libtpu: 0.0.44.dev20260713+nightly
codegen_flags: <defaults>
</compile_context>

<pallas_src>
import functools

import jax
import jax.numpy as jnp
from jax import lax
from jax.experimental import pallas as pl
from jax.experimental.pallas import tpu as pltpu
from jax.experimental.pallas import tpu_sc as plsc

ROWS = 64
N = 32768
L = 16
NCH = N // L
NUM_WORKERS = 32
ROWS_PER_WORKER = ROWS // NUM_WORKERS

BISECT_ITERS = 14
MICHELOT_ITERS = 3

_mesh = plsc.VectorSubcoreMesh(core_axis_name="c", subcore_axis_name="s")


def _shuf(x, k):
    idx = lax.iota(jnp.int32, L) ^ k
    return jnp.take_along_axis(x, idx, axis=0)


def _vsumv(x):
    for k in (8, 4, 2, 1):
        x = x + _shuf(x, k)
    return x


def _vmaxv(x):
    for k in (8, 4, 2, 1):
        x = jnp.maximum(x, _shuf(x, k))
    return x


@functools.partial(
    pl.kernel,
    out_type=jax.ShapeDtypeStruct((ROWS, N), jnp.float32),
    mesh=_mesh,
    compiler_params=pltpu.CompilerParams(needs_layout_passes=False),
    scratch_types=[
        pltpu.VMEM((N,), jnp.float32),
        pltpu.VMEM((N,), jnp.float32),
        pltpu.VMEM((N,), jnp.float32),
        pltpu.SemaphoreType.DMA,
        pltpu.SemaphoreType.DMA,
        pltpu.SemaphoreType.DMA,
        pltpu.SemaphoreType.DMA,
    ],
)
def _sparsemax_sc(x_hbm, out_hbm, rowa_v, rowb_v, cand_v, si0, si1, so0, so1):
    nc = _mesh.num_cores
    wid = lax.axis_index("s") * nc + lax.axis_index("c")
    iota = lax.iota(jnp.int32, L)

    def compute_tau(row_v):
        ninf = jnp.full((L,), -jnp.inf, jnp.float32)

        @plsc.parallel_loop(0, NCH, 4, unroll=4, carry=(ninf, ninf, ninf, ninf))
        def mx_accs(i, accs):
            a0, a1, a2, a3 = accs
            b = i * L
            a0 = jnp.maximum(a0, row_v[pl.ds(b, L)])
            a1 = jnp.maximum(a1, row_v[pl.ds(b + L, L)])
            a2 = jnp.maximum(a2, row_v[pl.ds(b + 2 * L, L)])
            a3 = jnp.maximum(a3, row_v[pl.ds(b + 3 * L, L)])
            return (a0, a1, a2, a3)

        a0, a1, a2, a3 = mx_accs
        m = _vmaxv(jnp.maximum(jnp.maximum(a0, a1), jnp.maximum(a2, a3)))
        thresh = m - 1.0

        @plsc.parallel_loop(0, NCH, unroll=16, carry=jnp.zeros((L,), jnp.int32))
        def cnt(i, cnt):
            v = row_v[pl.ds(i * L, L)]
            msk = v > thresh
            idx = lax.shift_left(cnt, 4) + iota
            plsc.store_scatter(cand_v, [idx], v, mask=msk)
            return cnt + msk.astype(jnp.int32)

        maxcnt = _vmaxv(cnt)[0]

        def fbody(k, _):
            v = cand_v[pl.ds(k * L, L)]
            cand_v[pl.ds(k * L, L)] = jnp.where(cnt > k, v, thresh - 1.0)
            return 0

        lax.fori_loop(0, maxcnt, fbody, 0)

        def bis(_, carry):
            lo, hi = carry
            mid = 0.5 * (lo + hi)

            def sbody(i, acc):
                v = cand_v[pl.ds(i * L, L)]
                return acc + jnp.maximum(v - mid, 0.0)

            acc = lax.fori_loop(0, maxcnt, sbody,
                                jnp.zeros((L,), jnp.float32))
            ge = _vsumv(acc) >= 1.0
            return (jnp.where(ge, mid, lo), jnp.where(ge, hi, mid))

        lo, _ = lax.fori_loop(0, BISECT_ITERS, bis, (thresh, m))

        def mich(_, tau):
            def nb(i, carry):
                kacc, sacc = carry
                v = cand_v[pl.ds(i * L, L)]
                msk = v > tau
                kacc = kacc + msk.astype(jnp.float32)
                sacc = sacc + jnp.where(msk, v, 0.0)
                return (kacc, sacc)

            kacc, sacc = lax.fori_loop(
                0, maxcnt, nb,
                (jnp.zeros((L,), jnp.float32), jnp.zeros((L,), jnp.float32)))
            return (_vsumv(sacc) - 1.0) / _vsumv(kacc)

        return lax.fori_loop(0, MICHELOT_ITERS, mich, lo)

    def relu_pass(row_v, tau):
        @plsc.parallel_loop(0, NCH, unroll=16)
        def _(i):
            b = i * L
            v = row_v[pl.ds(b, L)]
            row_v[pl.ds(b, L)] = jnp.maximum(v - tau, 0.0)

    r0 = wid * ROWS_PER_WORKER
    in0 = pltpu.async_copy(x_hbm.at[r0], rowa_v, si0)
    in1 = pltpu.async_copy(x_hbm.at[r0 + 1], rowb_v, si1)

    in0.wait()
    tau0 = compute_tau(rowa_v)
    relu_pass(rowa_v, tau0)
    out0 = pltpu.async_copy(rowa_v, out_hbm.at[r0], so0)

    in1.wait()
    tau1 = compute_tau(rowb_v)
    relu_pass(rowb_v, tau1)
    out1 = pltpu.async_copy(rowb_v, out_hbm.at[r0 + 1], so1)

    out0.wait()
    out1.wait()


def kernel(input):
    return _sparsemax_sc(input)

# --- scband reference (transcript-rebuilt; emitter-appended) ---
"""Pipeline reference for scband-sparsemax-9457517986350 (READ-ONLY COPY).

The authoritative reference and input builder live on the scoring server;
editing this copy changes nothing except your own understanding.
"""

import jax, jax.numpy as jnp
import numpy as np

def setup_inputs(seed: int = 0) -> dict:
    key = jax.random.key(seed)
    x = jax.random.normal(key, (64, 32768), dtype=jnp.float32)
    return {"input": x}

def reference(input):
    # Sparsemax along last dim (dim=-1), faithful to the torch module
    original_shape = input.shape
    n = original_shape[-1]
    x = input.reshape(-1, n)
    x = x - jnp.max(x, axis=1, keepdims=True)
    # sort descending
    zs = -jnp.sort(-x, axis=1)
    rng = jnp.arange(1, n + 1, dtype=jnp.float32).reshape(1, -1)
    rng = jnp.broadcast_to(rng, zs.shape)
    bound = 1.0 + rng * zs
    cumulative_sum_zs = jnp.cumsum(zs, axis=1)
    is_gt = (bound > cumulative_sum_zs).astype(x.dtype)
    k = jnp.max(is_gt * rng, axis=1, keepdims=True)
    zs_sparse = is_gt * zs
    taus = (jnp.sum(zs_sparse, axis=1, keepdims=True) - 1.0) / k
    output = jnp.maximum(jnp.zeros_like(x), x - taus)
    return output.reshape(original_shape)

if __name__ == "__main__":
    import jax
    _d = setup_inputs()
    print(jax.jit(kernel)(*tuple(_d.values())))

</pallas_src>

<mosaic_0001>
#map = affine_map<(d0, d1) -> (0, 0)>
module attributes {stable_mosaic.version = 14 : i64} {
  func.func @_sparsemax_sc(%arg0: i32, %arg1: i32, %arg2: memref<64x32768xf32, #tpu.memory_space<hbm>>, %arg3: memref<64x32768xf32, #tpu.memory_space<hbm>>, %arg4: memref<32768xf32, #tpu.memory_space<vmem>>, %arg5: memref<32768xf32, #tpu.memory_space<vmem>>, %arg6: memref<32768xf32, #tpu.memory_space<vmem>>, %arg7: memref<!tpu.dma_semaphore, #tpu.memory_space<semaphore_mem>>, %arg8: memref<!tpu.dma_semaphore, #tpu.memory_space<semaphore_mem>>, %arg9: memref<!tpu.dma_semaphore, #tpu.memory_space<semaphore_mem>>, %arg10: memref<!tpu.dma_semaphore, #tpu.memory_space<semaphore_mem>>) attributes {dimension_semantics = [#tpu.dimension_semantics<core_parallel>, #tpu.dimension_semantics<subcore_parallel>], iteration_bounds = array<i64: 2, 16>, scalar_prefetch = 0 : i64, scratch_operands = 7 : i64, tpu.core_type = #tpu.core_type<sc_vector_subcore>, window_params = [{transform_indices = #map}, {transform_indices = #map}]} {
    %mul3A = arith.constant 2 : i32
    %mul3A_0 = arith.muli %arg1, %mul3A : i32
    %add3A = arith.addi %mul3A_0, %arg0 : i32
    %iota3A = tpu.iota {dimensions = array<i32: 0>} : vector<16xi32>
    %mul3A_1 = arith.constant 2 : i32
    %mul3A_2 = arith.muli %add3A, %mul3A_1 : i32
    %dma_start3A = arith.constant 0 : i32
    %dma_start3A_3 = tpu.memref_slice %arg2[%mul3A_2, %dma_start3A] : memref<64x32768xf32, #tpu.memory_space<hbm>> -> memref<1x32768xf32, #tpu.memory_space<hbm>>
    %dma_start3A_4 = tpu.memref_squeeze %dma_start3A_3 : memref<1x32768xf32, #tpu.memory_space<hbm>> -> memref<32768xf32, #tpu.memory_space<hbm>>
    %dma_start3A_5 = arith.constant 0 : i32
    %dma_start3A_6 = tpu.memref_slice %arg2[%mul3A_2, %dma_start3A_5] : memref<64x32768xf32, #tpu.memory_space<hbm>> -> memref<1x32768xf32, #tpu.memory_space<hbm>>
    %dma_start3A_7 = tpu.memref_squeeze %dma_start3A_6 : memref<1x32768xf32, #tpu.memory_space<hbm>> -> memref<32768xf32, #tpu.memory_space<hbm>>
    tpu.enqueue_dma source(%dma_start3A_7 : memref<32768xf32, #tpu.memory_space<hbm>>) target(%arg4 : memref<32768xf32, #tpu.memory_space<vmem>>) target_semaphore(%arg7 : memref<!tpu.dma_semaphore, #tpu.memory_space<semaphore_mem>>)
    %add3A_8 = arith.constant 1 : i32
    %add3A_9 = arith.addi %mul3A_2, %add3A_8 : i32
    %dma_start3A_10 = arith.constant 0 : i32
    %dma_start3A_11 = tpu.memref_slice %arg2[%add3A_9, %dma_start3A_10] : memref<64x32768xf32, #tpu.memory_space<hbm>> -> memref<1x32768xf32, #tpu.memory_space<hbm>>
    %dma_start3A_12 = tpu.memref_squeeze %dma_start3A_11 : memref<1x32768xf32, #tpu.memory_space<hbm>> -> memref<32768xf32, #tpu.memory_space<hbm>>
    %dma_start3A_13 = arith.constant 0 : i32
    %dma_start3A_14 = tpu.memref_slice %arg2[%add3A_9, %dma_start3A_13] : memref<64x32768xf32, #tpu.memory_space<hbm>> -> memref<1x32768xf32, #tpu.memory_space<hbm>>
    %dma_start3A_15 = tpu.memref_squeeze %dma_start3A_14 : memref<1x32768xf32, #tpu.memory_space<hbm>> -> memref<32768xf32, #tpu.memory_space<hbm>>
    tpu.enqueue_dma source(%dma_start3A_15 : memref<32768xf32, #tpu.memory_space<hbm>>) target(%arg5 : memref<32768xf32, #tpu.memory_space<vmem>>) target_semaphore(%arg8 : memref<!tpu.dma_semaphore, #tpu.memory_space<semaphore_mem>>)
    %dma_wait3A = arith.constant 0 : i32
    %dma_wait3A_16 = tpu.memref_slice %arg2[%mul3A_2, %dma_wait3A] : memref<64x32768xf32, #tpu.memory_space<hbm>> -> memref<1x32768xf32, #tpu.memory_space<hbm>>
    %dma_wait3A_17 = tpu.memref_squeeze %dma_wait3A_16 : memref<1x32768xf32, #tpu.memory_space<hbm>> -> memref<32768xf32, #tpu.memory_space<hbm>>
    %dma_wait3A_18 = arith.constant 0 : i32
    %dma_wait3A_19 = tpu.memref_slice %arg2[%mul3A_2, %dma_wait3A_18] : memref<64x32768xf32, #tpu.memory_space<hbm>> -> memref<1x32768xf32, #tpu.memory_space<hbm>>
    %dma_wait3A_20 = tpu.memref_squeeze %dma_wait3A_19 : memref<1x32768xf32, #tpu.memory_space<hbm>> -> memref<32768xf32, #tpu.memory_space<hbm>>
    tpu.wait_dma2 semaphore(%arg7 : memref<!tpu.dma_semaphore, #tpu.memory_space<semaphore_mem>>) src(%dma_wait3A_20 : memref<32768xf32, #tpu.memory_space<hbm>>) dst(%arg4 : memref<32768xf32, #tpu.memory_space<vmem>>)
    %broadcast_in_dim3A = arith.constant 0xFF800000 : f32
    %broadcast_in_dim3A_21 = vector.broadcast %broadcast_in_dim3A : f32 to vector<16xf32>
    %parallel_loop3A = arith.constant 0 : i32
    %parallel_loop3A_22 = arith.constant 2048 : i32
    %parallel_loop3A_23 = arith.constant 4 : i32
    %parallel_loop3A_24:4 = scf.for %parallel_loop3A_374 = %parallel_loop3A to %parallel_loop3A_22 step %parallel_loop3A_23 iter_args(%parallel_loop3A_375 = %broadcast_in_dim3A_21, %parallel_loop3A_376 = %broadcast_in_dim3A_21, %parallel_loop3A_377 = %broadcast_in_dim3A_21, %parallel_loop3A_378 = %broadcast_in_dim3A_21) -> (vector<16xf32>, vector<16xf32>, vector<16xf32>, vector<16xf32>)  : i32 {
      %parallel_loop3A_379 = arith.constant 16 : i32
      %parallel_loop3A_380 = arith.muli %parallel_loop3A_374, %parallel_loop3A_379 : i32
      %parallel_loop3A_381 = arith.index_cast %parallel_loop3A_380 : i32 to index
      %parallel_loop3A_382 = tpu.vector_load %arg4[%parallel_loop3A_381] {strides = array<i32>} : memref<32768xf32, #tpu.memory_space<vmem>>, vector<16xf32>,
      %parallel_loop3A_383 = arith.maximumf %parallel_loop3A_375, %parallel_loop3A_382 : vector<16xf32>
      %parallel_loop3A_384 = arith.constant 16 : i32
      %parallel_loop3A_385 = arith.addi %parallel_loop3A_380, %parallel_loop3A_384 : i32
      %parallel_loop3A_386 = arith.index_cast %parallel_loop3A_385 : i32 to index
      %parallel_loop3A_387 = tpu.vector_load %arg4[%parallel_loop3A_386] {strides = array<i32>} : memref<32768xf32, #tpu.memory_space<vmem>>, vector<16xf32>,
      %parallel_loop3A_388 = arith.maximumf %parallel_loop3A_376, %parallel_loop3A_387 : vector<16xf32>
      %parallel_loop3A_389 = arith.constant 32 : i32
      %parallel_loop3A_390 = arith.addi %parallel_loop3A_380, %parallel_loop3A_389 : i32
      %parallel_loop3A_391 = arith.index_cast %parallel_loop3A_390 : i32 to index
      %parallel_loop3A_392 = tpu.vector_load %arg4[%parallel_loop3A_391] {strides = array<i32>} : memref<32768xf32, #tpu.memory_space<vmem>>, vector<16xf32>,
      %parallel_loop3A_393 = arith.maximumf %parallel_loop3A_377, %parallel_loop3A_392 : vector<16xf32>
      %parallel_loop3A_394 = arith.constant 48 : i32
      %parallel_loop3A_395 = arith.addi %parallel_loop3A_380, %parallel_loop3A_394 : i32
      %parallel_loop3A_396 = arith.index_cast %parallel_loop3A_395 : i32 to index
      %parallel_loop3A_397 = tpu.vector_load %arg4[%parallel_loop3A_396] {strides = array<i32>} : memref<32768xf32, #tpu.memory_space<vmem>>, vector<16xf32>,
      %parallel_loop3A_398 = arith.maximumf %parallel_loop3A_378, %parallel_loop3A_397 : vector<16xf32>
      scf.yield %parallel_loop3A_383, %parallel_loop3A_388, %parallel_loop3A_393, %parallel_loop3A_398 : vector<16xf32>, vector<16xf32>, vector<16xf32>, vector<16xf32>
    } {sc.loop_unroll_factor = 4 : i64, sc.parallel_access}
    %max3A = arith.maximumf %parallel_loop3A_24#0, %parallel_loop3A_24#1 : vector<16xf32>
    %max3A_25 = arith.maximumf %parallel_loop3A_24#2, %parallel_loop3A_24#3 : vector<16xf32>
    %max3A_26 = arith.maximumf %max3A, %max3A_25 : vector<16xf32>
    %iota3A_27 = tpu.iota {dimensions = array<i32: 0>} : vector<16xi32>
    %xor3A = arith.constant 8 : i32
    %xor3A_28 = vector.broadcast %xor3A : i32 to vector<16xi32>
    %xor3A_29 = arith.xori %iota3A_27, %xor3A_28 : vector<16xi32>
    %lt3A = arith.constant 0 : i32
    %lt3A_30 = vector.broadcast %lt3A : i32 to vector<16xi32>
    %lt3A_31 = arith.cmpi slt, %xor3A_29, %lt3A_30 : vector<16xi32>
    %add3A_32 = arith.constant 16 : i32
    %add3A_33 = vector.broadcast %add3A_32 : i32 to vector<16xi32>
    %add3A_34 = arith.addi %xor3A_29, %add3A_33 : vector<16xi32>
    %select_n3A = arith.select %lt3A_31, %add3A_34, %xor3A_29 : vector<16xi1>, vector<16xi32>
    %reshape3A = vector.shape_cast %select_n3A : vector<16xi32> to vector<16x1xi32>
    %gather3A = vector.shape_cast %reshape3A : vector<16x1xi32> to vector<16xi32>
    %gather3A_35 = tpu.dynamic_gather %max3A_26[%gather3A] in [0] : vector<16xf32>, vector<16xi32> -> vector<16xf32>
    %max3A_36 = arith.maximumf %max3A_26, %gather3A_35 : vector<16xf32>
    %iota3A_37 = tpu.iota {dimensions = array<i32: 0>} : vector<16xi32>
    %xor3A_38 = arith.constant 4 : i32
    %xor3A_39 = vector.broadcast %xor3A_38 : i32 to vector<16xi32>
    %xor3A_40 = arith.xori %iota3A_37, %xor3A_39 : vector<16xi32>
    %lt3A_41 = arith.constant 0 : i32
    %lt3A_42 = vector.broadcast %lt3A_41 : i32 to vector<16xi32>
    %lt3A_43 = arith.cmpi slt, %xor3A_40, %lt3A_42 : vector<16xi32>
    %add3A_44 = arith.constant 16 : i32
    %add3A_45 = vector.broadcast %add3A_44 : i32 to vector<16xi32>
    %add3A_46 = arith.addi %xor3A_40, %add3A_45 : vector<16xi32>
    %select_n3A_47 = arith.select %lt3A_43, %add3A_46, %xor3A_40 : vector<16xi1>, vector<16xi32>
    %reshape3A_48 = vector.shape_cast %select_n3A_47 : vector<16xi32> to vector<16x1xi32>
    %gather3A_49 = vector.shape_cast %reshape3A_48 : vector<16x1xi32> to vector<16xi32>
    %gather3A_50 = tpu.dynamic_gather %max3A_36[%gather3A_49] in [0] : vector<16xf32>, vector<16xi32> -> vector<16xf32>
    %max3A_51 = arith.maximumf %max3A_36, %gather3A_50 : vector<16xf32>
    %iota3A_52 = tpu.iota {dimensions = array<i32: 0>} : vector<16xi32>
    %xor3A_53 = arith.constant 2 : i32
    %xor3A_54 = vector.broadcast %xor3A_53 : i32 to vector<16xi32>
    %xor3A_55 = arith.xori %iota3A_52, %xor3A_54 : vector<16xi32>
    %lt3A_56 = arith.constant 0 : i32
    %lt3A_57 = vector.broadcast %lt3A_56 : i32 to vector<16xi32>
    %lt3A_58 = arith.cmpi slt, %xor3A_55, %lt3A_57 : vector<16xi32>
    %add3A_59 = arith.constant 16 : i32
    %add3A_60 = vector.broadcast %add3A_59 : i32 to vector<16xi32>
    %add3A_61 = arith.addi %xor3A_55, %add3A_60 : vector<16xi32>
    %select_n3A_62 = arith.select %lt3A_58, %add3A_61, %xor3A_55 : vector<16xi1>, vector<16xi32>
    %reshape3A_63 = vector.shape_cast %select_n3A_62 : vector<16xi32> to vector<16x1xi32>
    %gather3A_64 = vector.shape_cast %reshape3A_63 : vector<16x1xi32> to vector<16xi32>
    %gather3A_65 = tpu.dynamic_gather %max3A_51[%gather3A_64] in [0] : vector<16xf32>, vector<16xi32> -> vector<16xf32>
    %max3A_66 = arith.maximumf %max3A_51, %gather3A_65 : vector<16xf32>
    %iota3A_67 = tpu.iota {dimensions = array<i32: 0>} : vector<16xi32>
    %xor3A_68 = arith.constant 1 : i32
    %xor3A_69 = vector.broadcast %xor3A_68 : i32 to vector<16xi32>
    %xor3A_70 = arith.xori %iota3A_67, %xor3A_69 : vector<16xi32>
    %lt3A_71 = arith.constant 0 : i32
    %lt3A_72 = vector.broadcast %lt3A_71 : i32 to vector<16xi32>
    %lt3A_73 = arith.cmpi slt, %xor3A_70, %lt3A_72 : vector<16xi32>
    %add3A_74 = arith.constant 16 : i32
    %add3A_75 = vector.broadcast %add3A_74 : i32 to vector<16xi32>
    %add3A_76 = arith.addi %xor3A_70, %add3A_75 : vector<16xi32>
    %select_n3A_77 = arith.select %lt3A_73, %add3A_76, %xor3A_70 : vector<16xi1>, vector<16xi32>
    %reshape3A_78 = vector.shape_cast %select_n3A_77 : vector<16xi32> to vector<16x1xi32>
    %gather3A_79 = vector.shape_cast %reshape3A_78 : vector<16x1xi32> to vector<16xi32>
    %gather3A_80 = tpu.dynamic_gather %max3A_66[%gather3A_79] in [0] : vector<16xf32>, vector<16xi32> -> vector<16xf32>
    %max3A_81 = arith.maximumf %max3A_66, %gather3A_80 : vector<16xf32>
    %sub3A = arith.constant 1.000000e+00 : f32
    %sub3A_82 = vector.broadcast %sub3A : f32 to vector<16xf32>
    %sub3A_83 = arith.subf %max3A_81, %sub3A_82 : vector<16xf32>
    %broadcast_in_dim3A_84 = arith.constant 0 : i32
    %broadcast_in_dim3A_85 = vector.broadcast %broadcast_in_dim3A_84 : i32 to vector<16xi32>
    %parallel_loop3A_86 = arith.constant 0 : i32
    %parallel_loop3A_87 = arith.constant 2048 : i32
    %parallel_loop3A_88 = arith.constant 1 : i32
    %parallel_loop3A_89 = scf.for %parallel_loop3A_374 = %parallel_loop3A_86 to %parallel_loop3A_87 step %parallel_loop3A_88 iter_args(%parallel_loop3A_375 = %broadcast_in_dim3A_85) -> (vector<16xi32>)  : i32 {
      %parallel_loop3A_376 = arith.constant 16 : i32
      %parallel_loop3A_377 = arith.muli %parallel_loop3A_374, %parallel_loop3A_376 : i32
      %parallel_loop3A_378 = arith.index_cast %parallel_loop3A_377 : i32 to index
      %parallel_loop3A_379 = tpu.vector_load %arg4[%parallel_loop3A_378] {strides = array<i32>} : memref<32768xf32, #tpu.memory_space<vmem>>, vector<16xf32>,
      %parallel_loop3A_380 = arith.cmpf ogt, %parallel_loop3A_379, %sub3A_83 : vector<16xf32>
      %parallel_loop3A_381 = arith.constant 4 : i32
      %parallel_loop3A_382 = vector.broadcast %parallel_loop3A_381 : i32 to vector<16xi32>
      %parallel_loop3A_383 = arith.shli %parallel_loop3A_375, %parallel_loop3A_382 : vector<16xi32>
      %parallel_loop3A_384 = arith.addi %parallel_loop3A_383, %iota3A : vector<16xi32>
      tpu.vector_store_idx %arg6[%parallel_loop3A_384], %parallel_loop3A_379 masked %parallel_loop3A_380 : memref<32768xf32, #tpu.memory_space<vmem>>[vector<16xi32>], vector<16xf32>, vector<16xi1>
      %parallel_loop3A_385 = arith.extui %parallel_loop3A_380 : vector<16xi1> to vector<16xi32>
      %parallel_loop3A_386 = arith.addi %parallel_loop3A_375, %parallel_loop3A_385 : vector<16xi32>
      scf.yield %parallel_loop3A_386 : vector<16xi32>
    } {sc.loop_unroll_factor = 16 : i64, sc.parallel_access}
    %iota3A_90 = tpu.iota {dimensions = array<i32: 0>} : vector<16xi32>
    %xor3A_91 = arith.constant 8 : i32
    %xor3A_92 = vector.broadcast %xor3A_91 : i32 to vector<16xi32>
    %xor3A_93 = arith.xori %iota3A_90, %xor3A_92 : vector<16xi32>
    %lt3A_94 = arith.constant 0 : i32
    %lt3A_95 = vector.broadcast %lt3A_94 : i32 to vector<16xi32>
    %lt3A_96 = arith.cmpi slt, %xor3A_93, %lt3A_95 : vector<16xi32>
    %add3A_97 = arith.constant 16 : i32
    %add3A_98 = vector.broadcast %add3A_97 : i32 to vector<16xi32>
    %add3A_99 = arith.addi %xor3A_93, %add3A_98 : vector<16xi32>
    %select_n3A_100 = arith.select %lt3A_96, %add3A_99, %xor3A_93 : vector<16xi1>, vector<16xi32>
    %reshape3A_101 = vector.shape_cast %select_n3A_100 : vector<16xi32> to vector<16x1xi32>
    %gather3A_102 = vector.shape_cast %reshape3A_101 : vector<16x1xi32> to vector<16xi32>
    %gather3A_103 = tpu.dynamic_gather %parallel_loop3A_89[%gather3A_102] in [0] : vector<16xi32>, vector<16xi32> -> vector<16xi32>
    %max3A_104 = arith.maxsi %parallel_loop3A_89, %gather3A_103 : vector<16xi32>
    %iota3A_105 = tpu.iota {dimensions = array<i32: 0>} : vector<16xi32>
    %xor3A_106 = arith.constant 4 : i32
    %xor3A_107 = vector.broadcast %xor3A_106 : i32 to vector<16xi32>
    %xor3A_108 = arith.xori %iota3A_105, %xor3A_107 : vector<16xi32>
    %lt3A_109 = arith.constant 0 : i32
    %lt3A_110 = vector.broadcast %lt3A_109 : i32 to vector<16xi32>
    %lt3A_111 = arith.cmpi slt, %xor3A_108, %lt3A_110 : vector<16xi32>
    %add3A_112 = arith.constant 16 : i32
    %add3A_113 = vector.broadcast %add3A_112 : i32 to vector<16xi32>
    %add3A_114 = arith.addi %xor3A_108, %add3A_113 : vector<16xi32>
    %select_n3A_115 = arith.select %lt3A_111, %add3A_114, %xor3A_108 : vector<16xi1>, vector<16xi32>
    %reshape3A_116 = vector.shape_cast %select_n3A_115 : vector<16xi32> to vector<16x1xi32>
    %gather3A_117 = vector.shape_cast %reshape3A_116 : vector<16x1xi32> to vector<16xi32>
    %gather3A_118 = tpu.dynamic_gather %max3A_104[%gather3A_117] in [0] : vector<16xi32>, vector<16xi32> -> vector<16xi32>
    %max3A_119 = arith.maxsi %max3A_104, %gather3A_118 : vector<16xi32>
    %iota3A_120 = tpu.iota {dimensions = array<i32: 0>} : vector<16xi32>
    %xor3A_121 = arith.constant 2 : i32
    %xor3A_122 = vector.broadcast %xor3A_121 : i32 to vector<16xi32>
    %xor3A_123 = arith.xori %iota3A_120, %xor3A_122 : vector<16xi32>
    %lt3A_124 = arith.constant 0 : i32
    %lt3A_125 = vector.broadcast %lt3A_124 : i32 to vector<16xi32>
    %lt3A_126 = arith.cmpi slt, %xor3A_123, %lt3A_125 : vector<16xi32>
    %add3A_127 = arith.constant 16 : i32
    %add3A_128 = vector.broadcast %add3A_127 : i32 to vector<16xi32>
    %add3A_129 = arith.addi %xor3A_123, %add3A_128 : vector<16xi32>
    %select_n3A_130 = arith.select %lt3A_126, %add3A_129, %xor3A_123 : vector<16xi1>, vector<16xi32>
    %reshape3A_131 = vector.shape_cast %select_n3A_130 : vector<16xi32> to vector<16x1xi32>
    %gather3A_132 = vector.shape_cast %reshape3A_131 : vector<16x1xi32> to vector<16xi32>
    %gather3A_133 = tpu.dynamic_gather %max3A_119[%gather3A_132] in [0] : vector<16xi32>, vector<16xi32> -> vector<16xi32>
    %max3A_134 = arith.maxsi %max3A_119, %gather3A_133 : vector<16xi32>
    %iota3A_135 = tpu.iota {dimensions = array<i32: 0>} : vector<16xi32>
    %xor3A_136 = arith.constant 1 : i32
    %xor3A_137 = vector.broadcast %xor3A_136 : i32 to vector<16xi32>
    %xor3A_138 = arith.xori %iota3A_135, %xor3A_137 : vector<16xi32>
    %lt3A_139 = arith.constant 0 : i32
    %lt3A_140 = vector.broadcast %lt3A_139 : i32 to vector<16xi32>
    %lt3A_141 = arith.cmpi slt, %xor3A_138, %lt3A_140 : vector<16xi32>
    %add3A_142 = arith.constant 16 : i32
    %add3A_143 = vector.broadcast %add3A_142 : i32 to vector<16xi32>
    %add3A_144 = arith.addi %xor3A_138, %add3A_143 : vector<16xi32>
    %select_n3A_145 = arith.select %lt3A_141, %add3A_144, %xor3A_138 : vector<16xi1>, vector<16xi32>
    %reshape3A_146 = vector.shape_cast %select_n3A_145 : vector<16xi32> to vector<16x1xi32>
    %gather3A_147 = vector.shape_cast %reshape3A_146 : vector<16x1xi32> to vector<16xi32>
    %gather3A_148 = tpu.dynamic_gather %max3A_134[%gather3A_147] in [0] : vector<16xi32>, vector<16xi32> -> vector<16xi32>
    %max3A_149 = arith.maxsi %max3A_134, %gather3A_148 : vector<16xi32>
    %slice3A = vector.extract_strided_slice %max3A_149 {offsets = [0], sizes = [1], strides = [1]} : vector<16xi32> to vector<1xi32>
    %squeeze3A = vector.extract %slice3A[0] : i32 from vector<1xi32>
    %while3A = arith.constant 0 : i32
    %while3A_150 = arith.constant 0 : i32
    %while3A_151 = arith.subi %squeeze3A, %while3A : i32
    %while3A_152 = arith.addi %while3A, %while3A_151 : i32
    %while3A_153 = arith.constant 1 : i32
    %while3A_154 = arith.divsi %while3A_151, %while3A_153 : i32
    %while3A_155 = arith.muli %while3A_154, %while3A_153 : i32
    %while3A_156 = arith.addi %while3A, %while3A_155 : i32
    %while3A_157 = arith.constant 1 : i32
    %while3A_158 = scf.for %while3A_374 = %while3A to %while3A_156 step %while3A_157 iter_args(%while3A_375 = %while3A_150) -> (i32)  : i32 {
      %mul3A_376 = arith.constant 16 : i32
      %mul3A_377 = arith.muli %while3A_374, %mul3A_376 : i32
      %get3A = arith.index_cast %mul3A_377 : i32 to index
      %get3A_378 = tpu.vector_load %arg6[%get3A] {strides = array<i32>} : memref<32768xf32, #tpu.memory_space<vmem>>, vector<16xf32>,
      %gt3A = vector.broadcast %while3A_374 : i32 to vector<16xi32>
      %gt3A_379 = arith.cmpi sgt, %parallel_loop3A_89, %gt3A : vector<16xi32>
      %sub3A_380 = arith.constant 1.000000e+00 : f32
      %sub3A_381 = vector.broadcast %sub3A_380 : f32 to vector<16xf32>
      %sub3A_382 = arith.subf %sub3A_83, %sub3A_381 : vector<16xf32>
      %select_n3A_383 = arith.select %gt3A_379, %get3A_378, %sub3A_382 : vector<16xi1>, vector<16xf32>
      %mul3A_384 = arith.constant 16 : i32
      %mul3A_385 = arith.muli %while3A_374, %mul3A_384 : i32
      %swap3A = arith.index_cast %mul3A_385 : i32 to index
      %swap3A_386 = tpu.vector_load %arg6[%swap3A] {strides = array<i32>} : memref<32768xf32, #tpu.memory_space<vmem>>, vector<16xf32>,
      tpu.vector_store %arg6[%swap3A], %select_n3A_383 {strides = array<i32>} : memref<32768xf32, #tpu.memory_space<vmem>>, vector<16xf32>,
      %while3A_387 = arith.constant 0 : i32
      scf.yield %while3A_387 : i32
    }
    %while3A_159 = arith.constant 1 : i32
    %while3A_160 = scf.for %while3A_374 = %while3A_156 to %while3A_152 step %while3A_159 iter_args(%while3A_375 = %while3A_158) -> (i32)  : i32 {
      %mul3A_376 = arith.constant 16 : i32
      %mul3A_377 = arith.muli %while3A_374, %mul3A_376 : i32
      %get3A = arith.index_cast %mul3A_377 : i32 to index
      %get3A_378 = tpu.vector_load %arg6[%get3A] {strides = array<i32>} : memref<32768xf32, #tpu.memory_space<vmem>>, vector<16xf32>,
      %gt3A = vector.broadcast %while3A_374 : i32 to vector<16xi32>
      %gt3A_379 = arith.cmpi sgt, %parallel_loop3A_89, %gt3A : vector<16xi32>
      %sub3A_380 = arith.constant 1.000000e+00 : f32
      %sub3A_381 = vector.broadcast %sub3A_380 : f32 to vector<16xf32>
      %sub3A_382 = arith.subf %sub3A_83, %sub3A_381 : vector<16xf32>
      %select_n3A_383 = arith.select %gt3A_379, %get3A_378, %sub3A_382 : vector<16xi1>, vector<16xf32>
      %mul3A_384 = arith.constant 16 : i32
      %mul3A_385 = arith.muli %while3A_374, %mul3A_384 : i32
      %swap3A = arith.index_cast %mul3A_385 : i32 to index
      %swap3A_386 = tpu.vector_load %arg6[%swap3A] {strides = array<i32>} : memref<32768xf32, #tpu.memory_space<vmem>>, vector<16xf32>,
      tpu.vector_store %arg6[%swap3A], %select_n3A_383 {strides = array<i32>} : memref<32768xf32, #tpu.memory_space<vmem>>, vector<16xf32>,
      %while3A_387 = arith.constant 0 : i32
      scf.yield %while3A_387 : i32
    }
    %scan3A = arith.constant 0 : i32
    %scan3A_161 = arith.constant 14 : i32
    %scan3A_162 = arith.addi %scan3A, %scan3A_161 : i32
    %scan3A_163 = arith.constant 1 : i32
    %scan3A_164:2 = scf.for %scan3A_374 = %scan3A to %scan3A_162 step %scan3A_163 iter_args(%scan3A_375 = %sub3A_83, %scan3A_376 = %max3A_81) -> (vector<16xf32>, vector<16xf32>)  : i32 {
      %add3A_377 = arith.addf %scan3A_375, %scan3A_376 : vector<16xf32>
      %mul3A_378 = arith.constant 5.000000e-01 : f32
      %mul3A_379 = vector.broadcast %mul3A_378 : f32 to vector<16xf32>
      %mul3A_380 = arith.mulf %mul3A_379, %add3A_377 : vector<16xf32>
      %broadcast_in_dim3A_381 = arith.constant 0.000000e+00 : f32
      %broadcast_in_dim3A_382 = vector.broadcast %broadcast_in_dim3A_381 : f32 to vector<16xf32>
      %while3A_383 = arith.constant 0 : i32
      %while3A_384 = arith.subi %squeeze3A, %while3A_383 : i32
      %while3A_385 = arith.addi %while3A_383, %while3A_384 : i32
      %while3A_386 = arith.constant 1 : i32
      %while3A_387 = arith.divsi %while3A_384, %while3A_386 : i32
      %while3A_388 = arith.muli %while3A_387, %while3A_386 : i32
      %while3A_389 = arith.addi %while3A_383, %while3A_388 : i32
      %while3A_390 = arith.constant 1 : i32
      %while3A_391 = scf.for %while3A_458 = %while3A_383 to %while3A_389 step %while3A_390 iter_args(%while3A_459 = %broadcast_in_dim3A_382) -> (vector<16xf32>)  : i32 {
        %mul3A_460 = arith.constant 16 : i32
        %mul3A_461 = arith.muli %while3A_458, %mul3A_460 : i32
        %get3A = arith.index_cast %mul3A_461 : i32 to index
        %get3A_462 = tpu.vector_load %arg6[%get3A] {strides = array<i32>} : memref<32768xf32, #tpu.memory_space<vmem>>, vector<16xf32>,
        %sub3A_463 = arith.subf %get3A_462, %mul3A_380 : vector<16xf32>
        %max3A_464 = arith.constant 0.000000e+00 : f32
        %max3A_465 = vector.broadcast %max3A_464 : f32 to vector<16xf32>
        %max3A_466 = arith.maximumf %sub3A_463, %max3A_465 : vector<16xf32>
        %add3A_467 = arith.addf %while3A_459, %max3A_466 : vector<16xf32>
        scf.yield %add3A_467 : vector<16xf32>
      }
      %while3A_392 = arith.constant 1 : i32
      %while3A_393 = scf.for %while3A_458 = %while3A_389 to %while3A_385 step %while3A_392 iter_args(%while3A_459 = %while3A_391) -> (vector<16xf32>)  : i32 {
        %mul3A_460 = arith.constant 16 : i32
        %mul3A_461 = arith.muli %while3A_458, %mul3A_460 : i32
        %get3A = arith.index_cast %mul3A_461 : i32 to index
        %get3A_462 = tpu.vector_load %arg6[%get3A] {strides = array<i32>} : memref<32768xf32, #tpu.memory_space<vmem>>, vector<16xf32>,
        %sub3A_463 = arith.subf %get3A_462, %mul3A_380 : vector<16xf32>
        %max3A_464 = arith.constant 0.000000e+00 : f32
        %max3A_465 = vector.broadcast %max3A_464 : f32 to vector<16xf32>
        %max3A_466 = arith.maximumf %sub3A_463, %max3A_465 : vector<16xf32>
        %add3A_467 = arith.addf %while3A_459, %max3A_466 : vector<16xf32>
        scf.yield %add3A_467 : vector<16xf32>
      }
      %iota3A_394 = tpu.iota {dimensions = array<i32: 0>} : vector<16xi32>
      %xor3A_395 = arith.constant 8 : i32
      %xor3A_396 = vector.broadcast %xor3A_395 : i32 to vector<16xi32>
      %xor3A_397 = arith.xori %iota3A_394, %xor3A_396 : vector<16xi32>
      %lt3A_398 = arith.constant 0 : i32
      %lt3A_399 = vector.broadcast %lt3A_398 : i32 to vector<16xi32>
      %lt3A_400 = arith.cmpi slt, %xor3A_397, %lt3A_399 : vector<16xi32>
      %add3A_401 = arith.constant 16 : i32
      %add3A_402 = vector.broadcast %add3A_401 : i32 to vector<16xi32>
      %add3A_403 = arith.addi %xor3A_397, %add3A_402 : vector<16xi32>
      %select_n3A_404 = arith.select %lt3A_400, %add3A_403, %xor3A_397 : vector<16xi1>, vector<16xi32>
      %reshape3A_405 = vector.shape_cast %select_n3A_404 : vector<16xi32> to vector<16x1xi32>
      %gather3A_406 = vector.shape_cast %reshape3A_405 : vector<16x1xi32> to vector<16xi32>
      %gather3A_407 = tpu.dynamic_gather %while3A_393[%gather3A_406] in [0] : vector<16xf32>, vector<16xi32> -> vector<16xf32>
      %add3A_408 = arith.addf %while3A_393, %gather3A_407 : vector<16xf32>
      %iota3A_409 = tpu.iota {dimensions = array<i32: 0>} : vector<16xi32>
      %xor3A_410 = arith.constant 4 : i32
      %xor3A_411 = vector.broadcast %xor3A_410 : i32 to vector<16xi32>
      %xor3A_412 = arith.xori %iota3A_409, %xor3A_411 : vector<16xi32>
      %lt3A_413 = arith.constant 0 : i32
      %lt3A_414 = vector.broadcast %lt3A_413 : i32 to vector<16xi32>
      %lt3A_415 = arith.cmpi slt, %xor3A_412, %lt3A_414 : vector<16xi32>
      %add3A_416 = arith.constant 16 : i32
      %add3A_417 = vector.broadcast %add3A_416 : i32 to vector<16xi32>
      %add3A_418 = arith.addi %xor3A_412, %add3A_417 : vector<16xi32>
      %select_n3A_419 = arith.select %lt3A_415, %add3A_418, %xor3A_412 : vector<16xi1>, vector<16xi32>
      %reshape3A_420 = vector.shape_cast %select_n3A_419 : vector<16xi32> to vector<16x1xi32>
      %gather3A_421 = vector.shape_cast %reshape3A_420 : vector<16x1xi32> to vector<16xi32>
      %gather3A_422 = tpu.dynamic_gather %add3A_408[%gather3A_421] in [0] : vector<16xf32>, vector<16xi32> -> vector<16xf32>
      %add3A_423 = arith.addf %add3A_408, %gather3A_422 : vector<16xf32>
      %iota3A_424 = tpu.iota {dimensions = array<i32: 0>} : vector<16xi32>
      %xor3A_425 = arith.constant 2 : i32
      %xor3A_426 = vector.broadcast %xor3A_425 : i32 to vector<16xi32>
      %xor3A_427 = arith.xori %iota3A_424, %xor3A_426 : vector<16xi32>
      %lt3A_428 = arith.constant 0 : i32
      %lt3A_429 = vector.broadcast %lt3A_428 : i32 to vector<16xi32>
      %lt3A_430 = arith.cmpi slt, %xor3A_427, %lt3A_429 : vector<16xi32>
      %add3A_431 = arith.constant 16 : i32
      %add3A_432 = vector.broadcast %add3A_431 : i32 to vector<16xi32>
      %add3A_433 = arith.addi %xor3A_427, %add3A_432 : vector<16xi32>
      %select_n3A_434 = arith.select %lt3A_430, %add3A_433, %xor3A_427 : vector<16xi1>, vector<16xi32>
      %reshape3A_435 = vector.shape_cast %select_n3A_434 : vector<16xi32> to vector<16x1xi32>
      %gather3A_436 = vector.shape_cast %reshape3A_435 : vector<16x1xi32> to vector<16xi32>
      %gather3A_437 = tpu.dynamic_gather %add3A_423[%gather3A_436] in [0] : vector<16xf32>, vector<16xi32> -> vector<16xf32>
      %add3A_438 = arith.addf %add3A_423, %gather3A_437 : vector<16xf32>
      %iota3A_439 = tpu.iota {dimensions = array<i32: 0>} : vector<16xi32>
      %xor3A_440 = arith.constant 1 : i32
      %xor3A_441 = vector.broadcast %xor3A_440 : i32 to vector<16xi32>
      %xor3A_442 = arith.xori %iota3A_439, %xor3A_441 : vector<16xi32>
      %lt3A_443 = arith.constant 0 : i32
      %lt3A_444 = vector.broadcast %lt3A_443 : i32 to vector<16xi32>
      %lt3A_445 = arith.cmpi slt, %xor3A_442, %lt3A_444 : vector<16xi32>
      %add3A_446 = arith.constant 16 : i32
      %add3A_447 = vector.broadcast %add3A_446 : i32 to vector<16xi32>
      %add3A_448 = arith.addi %xor3A_442, %add3A_447 : vector<16xi32>
      %select_n3A_449 = arith.select %lt3A_445, %add3A_448, %xor3A_442 : vector<16xi1>, vector<16xi32>
      %reshape3A_450 = vector.shape_cast %select_n3A_449 : vector<16xi32> to vector<16x1xi32>
      %gather3A_451 = vector.shape_cast %reshape3A_450 : vector<16x1xi32> to vector<16xi32>
      %gather3A_452 = tpu.dynamic_gather %add3A_438[%gather3A_451] in [0] : vector<16xf32>, vector<16xi32> -> vector<16xf32>
      %add3A_453 = arith.addf %add3A_438, %gather3A_452 : vector<16xf32>
      %ge3A = arith.constant 1.000000e+00 : f32
      %ge3A_454 = vector.broadcast %ge3A : f32 to vector<16xf32>
      %ge3A_455 = arith.cmpf oge, %add3A_453, %ge3A_454 : vector<16xf32>
      %select_n3A_456 = arith.select %ge3A_455, %mul3A_380, %scan3A_375 : vector<16xi1>, vector<16xf32>
      %select_n3A_457 = arith.select %ge3A_455, %scan3A_376, %mul3A_380 : vector<16xi1>, vector<16xf32>
      scf.yield %select_n3A_456, %select_n3A_457 : vector<16xf32>, vector<16xf32>
    }
    %scan3A_165 = arith.constant 14 : i32
    %scan3A_166 = arith.constant 0 : i32
    %scan3A_167 = arith.constant 3 : i32
    %scan3A_168 = arith.addi %scan3A_166, %scan3A_167 : i32
    %scan3A_169 = arith.constant 1 : i32
    %scan3A_170 = scf.for %scan3A_374 = %scan3A_166 to %scan3A_168 step %scan3A_169 iter_args(%scan3A_375 = %scan3A_164#0) -> (vector<16xf32>)  : i32 {
      %broadcast_in_dim3A_376 = arith.constant 0.000000e+00 : f32
      %broadcast_in_dim3A_377 = vector.broadcast %broadcast_in_dim3A_376 : f32 to vector<16xf32>
      %broadcast_in_dim3A_378 = arith.constant 0.000000e+00 : f32
      %broadcast_in_dim3A_379 = vector.broadcast %broadcast_in_dim3A_378 : f32 to vector<16xf32>
      %while3A_380 = arith.constant 0 : i32
      %while3A_381 = arith.subi %squeeze3A, %while3A_380 : i32
      %while3A_382 = arith.addi %while3A_380, %while3A_381 : i32
      %while3A_383 = arith.constant 1 : i32
      %while3A_384 = arith.divsi %while3A_381, %while3A_383 : i32
      %while3A_385 = arith.muli %while3A_384, %while3A_383 : i32
      %while3A_386 = arith.addi %while3A_380, %while3A_385 : i32
      %while3A_387 = arith.constant 1 : i32
      %while3A_388:2 = scf.for %while3A_514 = %while3A_380 to %while3A_386 step %while3A_387 iter_args(%while3A_515 = %broadcast_in_dim3A_377, %while3A_516 = %broadcast_in_dim3A_379) -> (vector<16xf32>, vector<16xf32>)  : i32 {
        %mul3A_517 = arith.constant 16 : i32
        %mul3A_518 = arith.muli %while3A_514, %mul3A_517 : i32
        %get3A = arith.index_cast %mul3A_518 : i32 to index
        %get3A_519 = tpu.vector_load %arg6[%get3A] {strides = array<i32>} : memref<32768xf32, #tpu.memory_space<vmem>>, vector<16xf32>,
        %gt3A = arith.cmpf ogt, %get3A_519, %scan3A_375 : vector<16xf32>
        %convert_element_type3A = arith.extui %gt3A : vector<16xi1> to vector<16xi32>
        %convert_element_type3A_520 = arith.sitofp %convert_element_type3A : vector<16xi32> to vector<16xf32>
        %add3A_521 = arith.addf %while3A_515, %convert_element_type3A_520 : vector<16xf32>
        %jit3A = arith.constant 0.000000e+00 : f32
        %broadcast_in_dim3A_522 = vector.broadcast %jit3A : f32 to vector<16xf32>
        %select_n3A_523 = arith.select %gt3A, %get3A_519, %broadcast_in_dim3A_522 : vector<16xi1>, vector<16xf32>
        %add3A_524 = arith.addf %while3A_516, %select_n3A_523 : vector<16xf32>
        scf.yield %add3A_521, %add3A_524 : vector<16xf32>, vector<16xf32>
      }
      %while3A_389 = arith.constant 1 : i32
      %while3A_390:2 = scf.for %while3A_514 = %while3A_386 to %while3A_382 step %while3A_389 iter_args(%while3A_515 = %while3A_388#0, %while3A_516 = %while3A_388#1) -> (vector<16xf32>, vector<16xf32>)  : i32 {
        %mul3A_517 = arith.constant 16 : i32
        %mul3A_518 = arith.muli %while3A_514, %mul3A_517 : i32
        %get3A = arith.index_cast %mul3A_518 : i32 to index
        %get3A_519 = tpu.vector_load %arg6[%get3A] {strides = array<i32>} : memref<32768xf32, #tpu.memory_space<vmem>>, vector<16xf32>,
        %gt3A = arith.cmpf ogt, %get3A_519, %scan3A_375 : vector<16xf32>
        %convert_element_type3A = arith.extui %gt3A : vector<16xi1> to vector<16xi32>
        %convert_element_type3A_520 = arith.sitofp %convert_element_type3A : vector<16xi32> to vector<16xf32>
        %add3A_521 = arith.addf %while3A_515, %convert_element_type3A_520 : vector<16xf32>
        %jit3A = arith.constant 0.000000e+00 : f32
        %broadcast_in_dim3A_522 = vector.broadcast %jit3A : f32 to vector<16xf32>
        %select_n3A_523 = arith.select %gt3A, %get3A_519, %broadcast_in_dim3A_522 : vector<16xi1>, vector<16xf32>
        %add3A_524 = arith.addf %while3A_516, %select_n3A_523 : vector<16xf32>
        scf.yield %add3A_521, %add3A_524 : vector<16xf32>, vector<16xf32>
      }
      %iota3A_391 = tpu.iota {dimensions = array<i32: 0>} : vector<16xi32>
      %xor3A_392 = arith.constant 8 : i32
      %xor3A_393 = vector.broadcast %xor3A_392 : i32 to vector<16xi32>
      %xor3A_394 = arith.xori %iota3A_391, %xor3A_393 : vector<16xi32>
      %lt3A_395 = arith.constant 0 : i32
      %lt3A_396 = vector.broadcast %lt3A_395 : i32 to vector<16xi32>
      %lt3A_397 = arith.cmpi slt, %xor3A_394, %lt3A_396 : vector<16xi32>
      %add3A_398 = arith.constant 16 : i32
      %add3A_399 = vector.broadcast %add3A_398 : i32 to vector<16xi32>
      %add3A_400 = arith.addi %xor3A_394, %add3A_399 : vector<16xi32>
      %select_n3A_401 = arith.select %lt3A_397, %add3A_400, %xor3A_394 : vector<16xi1>, vector<16xi32>
      %reshape3A_402 = vector.shape_cast %select_n3A_401 : vector<16xi32> to vector<16x1xi32>
      %gather3A_403 = vector.shape_cast %reshape3A_402 : vector<16x1xi32> to vector<16xi32>
      %gather3A_404 = tpu.dynamic_gather %while3A_390#1[%gather3A_403] in [0] : vector<16xf32>, vector<16xi32> -> vector<16xf32>
      %add3A_405 = arith.addf %while3A_390#1, %gather3A_404 : vector<16xf32>
      %iota3A_406 = tpu.iota {dimensions = array<i32: 0>} : vector<16xi32>
      %xor3A_407 = arith.constant 4 : i32
      %xor3A_408 = vector.broadcast %xor3A_407 : i32 to vector<16xi32>
      %xor3A_409 = arith.xori %iota3A_406, %xor3A_408 : vector<16xi32>
      %lt3A_410 = arith.constant 0 : i32
      %lt3A_411 = vector.broadcast %lt3A_410 : i32 to vector<16xi32>
      %lt3A_412 = arith.cmpi slt, %xor3A_409, %lt3A_411 : vector<16xi32>
      %add3A_413 = arith.constant 16 : i32
      %add3A_414 = vector.broadcast %add3A_413 : i32 to vector<16xi32>
      %add3A_415 = arith.addi %xor3A_409, %add3A_414 : vector<16xi32>
      %select_n3A_416 = arith.select %lt3A_412, %add3A_415, %xor3A_409 : vector<16xi1>, vector<16xi32>
      %reshape3A_417 = vector.shape_cast %select_n3A_416 : vector<16xi32> to vector<16x1xi32>
      %gather3A_418 = vector.shape_cast %reshape3A_417 : vector<16x1xi32> to vector<16xi32>
      %gather3A_419 = tpu.dynamic_gather %add3A_405[%gather3A_418] in [0] : vector<16xf32>, vector<16xi32> -> vector<16xf32>
      %add3A_420 = arith.addf %add3A_405, %gather3A_419 : vector<16xf32>
      %iota3A_421 = tpu.iota {dimensions = array<i32: 0>} : vector<16xi32>
      %xor3A_422 = arith.constant 2 : i32
      %xor3A_423 = vector.broadcast %xor3A_422 : i32 to vector<16xi32>
      %xor3A_424 = arith.xori %iota3A_421, %xor3A_423 : vector<16xi32>
      %lt3A_425 = arith.constant 0 : i32
      %lt3A_426 = vector.broadcast %lt3A_425 : i32 to vector<16xi32>
      %lt3A_427 = arith.cmpi slt, %xor3A_424, %lt3A_426 : vector<16xi32>
      %add3A_428 = arith.constant 16 : i32
      %add3A_429 = vector.broadcast %add3A_428 : i32 to vector<16xi32>
      %add3A_430 = arith.addi %xor3A_424, %add3A_429 : vector<16xi32>
      %select_n3A_431 = arith.select %lt3A_427, %add3A_430, %xor3A_424 : vector<16xi1>, vector<16xi32>
      %reshape3A_432 = vector.shape_cast %select_n3A_431 : vector<16xi32> to vector<16x1xi32>
      %gather3A_433 = vector.shape_cast %reshape3A_432 : vector<16x1xi32> to vector<16xi32>
      %gather3A_434 = tpu.dynamic_gather %add3A_420[%gather3A_433] in [0] : vector<16xf32>, vector<16xi32> -> vector<16xf32>
      %add3A_435 = arith.addf %add3A_420, %gather3A_434 : vector<16xf32>
      %iota3A_436 = tpu.iota {dimensions = array<i32: 0>} : vector<16xi32>
      %xor3A_437 = arith.constant 1 : i32
      %xor3A_438 = vector.broadcast %xor3A_437 : i32 to vector<16xi32>
      %xor3A_439 = arith.xori %iota3A_436, %xor3A_438 : vector<16xi32>
      %lt3A_440 = arith.constant 0 : i32
      %lt3A_441 = vector.broadcast %lt3A_440 : i32 to vector<16xi32>
      %lt3A_442 = arith.cmpi slt, %xor3A_439, %lt3A_441 : vector<16xi32>
      %add3A_443 = arith.constant 16 : i32
      %add3A_444 = vector.broadcast %add3A_443 : i32 to vector<16xi32>
      %add3A_445 = arith.addi %xor3A_439, %add3A_444 : vector<16xi32>
      %select_n3A_446 = arith.select %lt3A_442, %add3A_445, %xor3A_439 : vector<16xi1>, vector<16xi32>
      %reshape3A_447 = vector.shape_cast %select_n3A_446 : vector<16xi32> to vector<16x1xi32>
      %gather3A_448 = vector.shape_cast %reshape3A_447 : vector<16x1xi32> to vector<16xi32>
      %gather3A_449 = tpu.dynamic_gather %add3A_435[%gather3A_448] in [0] : vector<16xf32>, vector<16xi32> -> vector<16xf32>
      %add3A_450 = arith.addf %add3A_435, %gather3A_449 : vector<16xf32>
      %sub3A_451 = arith.constant 1.000000e+00 : f32
      %sub3A_452 = vector.broadcast %sub3A_451 : f32 to vector<16xf32>
      %sub3A_453 = arith.subf %add3A_450, %sub3A_452 : vector<16xf32>
      %iota3A_454 = tpu.iota {dimensions = array<i32: 0>} : vector<16xi32>
      %xor3A_455 = arith.constant 8 : i32
      %xor3A_456 = vector.broadcast %xor3A_455 : i32 to vector<16xi32>
      %xor3A_457 = arith.xori %iota3A_454, %xor3A_456 : vector<16xi32>
      %lt3A_458 = arith.constant 0 : i32
      %lt3A_459 = vector.broadcast %lt3A_458 : i32 to vector<16xi32>
      %lt3A_460 = arith.cmpi slt, %xor3A_457, %lt3A_459 : vector<16xi32>
      %add3A_461 = arith.constant 16 : i32
      %add3A_462 = vector.broadcast %add3A_461 : i32 to vector<16xi32>
      %add3A_463 = arith.addi %xor3A_457, %add3A_462 : vector<16xi32>
      %select_n3A_464 = arith.select %lt3A_460, %add3A_463, %xor3A_457 : vector<16xi1>, vector<16xi32>
      %reshape3A_465 = vector.shape_cast %select_n3A_464 : vector<16xi32> to vector<16x1xi32>
      %gather3A_466 = vector.shape_cast %reshape3A_465 : vector<16x1xi32> to vector<16xi32>
      %gather3A_467 = tpu.dynamic_gather %while3A_390#0[%gather3A_466] in [0] : vector<16xf32>, vector<16xi32> -> vector<16xf32>
      %add3A_468 = arith.addf %while3A_390#0, %gather3A_467 : vector<16xf32>
      %iota3A_469 = tpu.iota {dimensions = array<i32: 0>} : vector<16xi32>
      %xor3A_470 = arith.constant 4 : i32
      %xor3A_471 = vector.broadcast %xor3A_470 : i32 to vector<16xi32>
      %xor3A_472 = arith.xori %iota3A_469, %xor3A_471 : vector<16xi32>
      %lt3A_473 = arith.constant 0 : i32
      %lt3A_474 = vector.broadcast %lt3A_473 : i32 to vector<16xi32>
      %lt3A_475 = arith.cmpi slt, %xor3A_472, %lt3A_474 : vector<16xi32>
      %add3A_476 = arith.constant 16 : i32
      %add3A_477 = vector.broadcast %add3A_476 : i32 to vector<16xi32>
      %add3A_478 = arith.addi %xor3A_472, %add3A_477 : vector<16xi32>
      %select_n3A_479 = arith.select %lt3A_475, %add3A_478, %xor3A_472 : vector<16xi1>, vector<16xi32>
      %reshape3A_480 = vector.shape_cast %select_n3A_479 : vector<16xi32> to vector<16x1xi32>
      %gather3A_481 = vector.shape_cast %reshape3A_480 : vector<16x1xi32> to vector<16xi32>
      %gather3A_482 = tpu.dynamic_gather %add3A_468[%gather3A_481] in [0] : vector<16xf32>, vector<16xi32> -> vector<16xf32>
      %add3A_483 = arith.addf %add3A_468, %gather3A_482 : vector<16xf32>
      %iota3A_484 = tpu.iota {dimensions = array<i32: 0>} : vector<16xi32>
      %xor3A_485 = arith.constant 2 : i32
      %xor3A_486 = vector.broadcast %xor3A_485 : i32 to vector<16xi32>
      %xor3A_487 = arith.xori %iota3A_484, %xor3A_486 : vector<16xi32>
      %lt3A_488 = arith.constant 0 : i32
      %lt3A_489 = vector.broadcast %lt3A_488 : i32 to vector<16xi32>
      %lt3A_490 = arith.cmpi slt, %xor3A_487, %lt3A_489 : vector<16xi32>
      %add3A_491 = arith.constant 16 : i32
      %add3A_492 = vector.broadcast %add3A_491 : i32 to vector<16xi32>
      %add3A_493 = arith.addi %xor3A_487, %add3A_492 : vector<16xi32>
      %select_n3A_494 = arith.select %lt3A_490, %add3A_493, %xor3A_487 : vector<16xi1>, vector<16xi32>
      %reshape3A_495 = vector.shape_cast %select_n3A_494 : vector<16xi32> to vector<16x1xi32>
      %gather3A_496 = vector.shape_cast %reshape3A_495 : vector<16x1xi32> to vector<16xi32>
      %gather3A_497 = tpu.dynamic_gather %add3A_483[%gather3A_496] in [0] : vector<16xf32>, vector<16xi32> -> vector<16xf32>
      %add3A_498 = arith.addf %add3A_483, %gather3A_497 : vector<16xf32>
      %iota3A_499 = tpu.iota {dimensions = array<i32: 0>} : vector<16xi32>
      %xor3A_500 = arith.constant 1 : i32
      %xor3A_501 = vector.broadcast %xor3A_500 : i32 to vector<16xi32>
      %xor3A_502 = arith.xori %iota3A_499, %xor3A_501 : vector<16xi32>
      %lt3A_503 = arith.constant 0 : i32
      %lt3A_504 = vector.broadcast %lt3A_503 : i32 to vector<16xi32>
      %lt3A_505 = arith.cmpi slt, %xor3A_502, %lt3A_504 : vector<16xi32>
      %add3A_506 = arith.constant 16 : i32
      %add3A_507 = vector.broadcast %add3A_506 : i32 to vector<16xi32>
      %add3A_508 = arith.addi %xor3A_502, %add3A_507 : vector<16xi32>
      %select_n3A_509 = arith.select %lt3A_505, %add3A_508, %xor3A_502 : vector<16xi1>, vector<16xi32>
      %reshape3A_510 = vector.shape_cast %select_n3A_509 : vector<16xi32> to vector<16x1xi32>
      %gather3A_511 = vector.shape_cast %reshape3A_510 : vector<16x1xi32> to vector<16xi32>
      %gather3A_512 = tpu.dynamic_gather %add3A_498[%gather3A_511] in [0] : vector<16xf32>, vector<16xi32> -> vector<16xf32>
      %add3A_513 = arith.addf %add3A_498, %gather3A_512 : vector<16xf32>
      %div3A = arith.divf %sub3A_453, %add3A_513 : vector<16xf32>
      scf.yield %div3A : vector<16xf32>
    }
    %scan3A_171 = arith.constant 3 : i32
    %parallel_loop3A_172 = arith.constant 0 : i32
    %parallel_loop3A_173 = arith.constant 2048 : i32
    %parallel_loop3A_174 = arith.constant 1 : i32
    scf.for %parallel_loop3A_374 = %parallel_loop3A_172 to %parallel_loop3A_173 step %parallel_loop3A_174  : i32 {
      %parallel_loop3A_375 = arith.constant 16 : i32
      %parallel_loop3A_376 = arith.muli %parallel_loop3A_374, %parallel_loop3A_375 : i32
      %parallel_loop3A_377 = arith.index_cast %parallel_loop3A_376 : i32 to index
      %parallel_loop3A_378 = tpu.vector_load %arg4[%parallel_loop3A_377] {strides = array<i32>} : memref<32768xf32, #tpu.memory_space<vmem>>, vector<16xf32>,
      %parallel_loop3A_379 = arith.subf %parallel_loop3A_378, %scan3A_170 : vector<16xf32>
      %parallel_loop3A_380 = arith.constant 0.000000e+00 : f32
      %parallel_loop3A_381 = vector.broadcast %parallel_loop3A_380 : f32 to vector<16xf32>
      %parallel_loop3A_382 = arith.maximumf %parallel_loop3A_379, %parallel_loop3A_381 : vector<16xf32>
      %parallel_loop3A_383 = arith.index_cast %parallel_loop3A_376 : i32 to index
      %parallel_loop3A_384 = tpu.vector_load %arg4[%parallel_loop3A_383] {strides = array<i32>} : memref<32768xf32, #tpu.memory_space<vmem>>, vector<16xf32>,
      tpu.vector_store %arg4[%parallel_loop3A_383], %parallel_loop3A_382 {strides = array<i32>} : memref<32768xf32, #tpu.memory_space<vmem>>, vector<16xf32>,
    } {sc.loop_unroll_factor = 16 : i64, sc.parallel_access}
    %dma_start3A_175 = arith.constant 0 : i32
    %dma_start3A_176 = tpu.memref_slice %arg3[%mul3A_2, %dma_start3A_175] : memref<64x32768xf32, #tpu.memory_space<hbm>> -> memref<1x32768xf32, #tpu.memory_space<hbm>>
    %dma_start3A_177 = tpu.memref_squeeze %dma_start3A_176 : memref<1x32768xf32, #tpu.memory_space<hbm>> -> memref<32768xf32, #tpu.memory_space<hbm>>
    %dma_start3A_178 = arith.constant 0 : i32
    %dma_start3A_179 = tpu.memref_slice %arg3[%mul3A_2, %dma_start3A_178] : memref<64x32768xf32, #tpu.memory_space<hbm>> -> memref<1x32768xf32, #tpu.memory_space<hbm>>
    %dma_start3A_180 = tpu.memref_squeeze %dma_start3A_179 : memref<1x32768xf32, #tpu.memory_space<hbm>> -> memref<32768xf32, #tpu.memory_space<hbm>>
    tpu.enqueue_dma source(%arg4 : memref<32768xf32, #tpu.memory_space<vmem>>) target(%dma_start3A_180 : memref<32768xf32, #tpu.memory_space<hbm>>) target_semaphore(%arg9 : memref<!tpu.dma_semaphore, #tpu.memory_space<semaphore_mem>>)
    %dma_wait3A_181 = arith.constant 0 : i32
    %dma_wait3A_182 = tpu.memref_slice %arg2[%add3A_9, %dma_wait3A_181] : memref<64x32768xf32, #tpu.memory_space<hbm>> -> memref<1x32768xf32, #tpu.memory_space<hbm>>
    %dma_wait3A_183 = tpu.memref_squeeze %dma_wait3A_182 : memref<1x32768xf32, #tpu.memory_space<hbm>> -> memref<32768xf32, #tpu.memory_space<hbm>>
    %dma_wait3A_184 = arith.constant 0 : i32
    %dma_wait3A_185 = tpu.memref_slice %arg2[%add3A_9, %dma_wait3A_184] : memref<64x32768xf32, #tpu.memory_space<hbm>> -> memref<1x32768xf32, #tpu.memory_space<hbm>>
    %dma_wait3A_186 = tpu.memref_squeeze %dma_wait3A_185 : memref<1x32768xf32, #tpu.memory_space<hbm>> -> memref<32768xf32, #tpu.memory_space<hbm>>
    tpu.wait_dma2 semaphore(%arg8 : memref<!tpu.dma_semaphore, #tpu.memory_space<semaphore_mem>>) src(%dma_wait3A_186 : memref<32768xf32, #tpu.memory_space<hbm>>) dst(%arg5 : memref<32768xf32, #tpu.memory_space<vmem>>)
    %broadcast_in_dim3A_187 = arith.constant 0xFF800000 : f32
    %broadcast_in_dim3A_188 = vector.broadcast %broadcast_in_dim3A_187 : f32 to vector<16xf32>
    %parallel_loop3A_189 = arith.constant 0 : i32
    %parallel_loop3A_190 = arith.constant 2048 : i32
    %parallel_loop3A_191 = arith.constant 4 : i32
    %parallel_loop3A_192:4 = scf.for %parallel_loop3A_374 = %parallel_loop3A_189 to %parallel_loop3A_190 step %parallel_loop3A_191 iter_args(%parallel_loop3A_375 = %broadcast_in_dim3A_188, %parallel_loop3A_376 = %broadcast_in_dim3A_188, %parallel_loop3A_377 = %broadcast_in_dim3A_188, %parallel_loop3A_378 = %broadcast_in_dim3A_188) -> (vector<16xf32>, vector<16xf32>, vector<16xf32>, vector<16xf32>)  : i32 {
      %parallel_loop3A_379 = arith.constant 16 : i32
      %parallel_loop3A_380 = arith.muli %parallel_loop3A_374, %parallel_loop3A_379 : i32
      %parallel_loop3A_381 = arith.index_cast %parallel_loop3A_380 : i32 to index
      %parallel_loop3A_382 = tpu.vector_load %arg5[%parallel_loop3A_381] {strides = array<i32>} : memref<32768xf32, #tpu.memory_space<vmem>>, vector<16xf32>,
      %parallel_loop3A_383 = arith.maximumf %parallel_loop3A_375, %parallel_loop3A_382 : vector<16xf32>
      %parallel_loop3A_384 = arith.constant 16 : i32
      %parallel_loop3A_385 = arith.addi %parallel_loop3A_380, %parallel_loop3A_384 : i32
      %parallel_loop3A_386 = arith.index_cast %parallel_loop3A_385 : i32 to index
      %parallel_loop3A_387 = tpu.vector_load %arg5[%parallel_loop3A_386] {strides = array<i32>} : memref<32768xf32, #tpu.memory_space<vmem>>, vector<16xf32>,
      %parallel_loop3A_388 = arith.maximumf %parallel_loop3A_376, %parallel_loop3A_387 : vector<16xf32>
      %parallel_loop3A_389 = arith.constant 32 : i32
      %parallel_loop3A_390 = arith.addi %parallel_loop3A_380, %parallel_loop3A_389 : i32
      %parallel_loop3A_391 = arith.index_cast %parallel_loop3A_390 : i32 to index
      %parallel_loop3A_392 = tpu.vector_load %arg5[%parallel_loop3A_391] {strides = array<i32>} : memref<32768xf32, #tpu.memory_space<vmem>>, vector<16xf32>,
      %parallel_loop3A_393 = arith.maximumf %parallel_loop3A_377, %parallel_loop3A_392 : vector<16xf32>
      %parallel_loop3A_394 = arith.constant 48 : i32
      %parallel_loop3A_395 = arith.addi %parallel_loop3A_380, %parallel_loop3A_394 : i32
      %parallel_loop3A_396 = arith.index_cast %parallel_loop3A_395 : i32 to index
      %parallel_loop3A_397 = tpu.vector_load %arg5[%parallel_loop3A_396] {strides = array<i32>} : memref<32768xf32, #tpu.memory_space<vmem>>, vector<16xf32>,
      %parallel_loop3A_398 = arith.maximumf %parallel_loop3A_378, %parallel_loop3A_397 : vector<16xf32>
      scf.yield %parallel_loop3A_383, %parallel_loop3A_388, %parallel_loop3A_393, %parallel_loop3A_398 : vector<16xf32>, vector<16xf32>, vector<16xf32>, vector<16xf32>
    } {sc.loop_unroll_factor = 4 : i64, sc.parallel_access}
    %max3A_193 = arith.maximumf %parallel_loop3A_192#0, %parallel_loop3A_192#1 : vector<16xf32>
    %max3A_194 = arith.maximumf %parallel_loop3A_192#2, %parallel_loop3A_192#3 : vector<16xf32>
    %max3A_195 = arith.maximumf %max3A_193, %max3A_194 : vector<16xf32>
    %iota3A_196 = tpu.iota {dimensions = array<i32: 0>} : vector<16xi32>
    %xor3A_197 = arith.constant 8 : i32
    %xor3A_198 = vector.broadcast %xor3A_197 : i32 to vector<16xi32>
    %xor3A_199 = arith.xori %iota3A_196, %xor3A_198 : vector<16xi32>
    %lt3A_200 = arith.constant 0 : i32
    %lt3A_201 = vector.broadcast %lt3A_200 : i32 to vector<16xi32>
    %lt3A_202 = arith.cmpi slt, %xor3A_199, %lt3A_201 : vector<16xi32>
    %add3A_203 = arith.constant 16 : i32
    %add3A_204 = vector.broadcast %add3A_203 : i32 to vector<16xi32>
    %add3A_205 = arith.addi %xor3A_199, %add3A_204 : vector<16xi32>
    %select_n3A_206 = arith.select %lt3A_202, %add3A_205, %xor3A_199 : vector<16xi1>, vector<16xi32>
    %reshape3A_207 = vector.shape_cast %select_n3A_206 : vector<16xi32> to vector<16x1xi32>
    %gather3A_208 = vector.shape_cast %reshape3A_207 : vector<16x1xi32> to vector<16xi32>
    %gather3A_209 = tpu.dynamic_gather %max3A_195[%gather3A_208] in [0] : vector<16xf32>, vector<16xi32> -> vector<16xf32>
    %max3A_210 = arith.maximumf %max3A_195, %gather3A_209 : vector<16xf32>
    %iota3A_211 = tpu.iota {dimensions = array<i32: 0>} : vector<16xi32>
    %xor3A_212 = arith.constant 4 : i32
    %xor3A_213 = vector.broadcast %xor3A_212 : i32 to vector<16xi32>
    %xor3A_214 = arith.xori %iota3A_211, %xor3A_213 : vector<16xi32>
    %lt3A_215 = arith.constant 0 : i32
    %lt3A_216 = vector.broadcast %lt3A_215 : i32 to vector<16xi32>
    %lt3A_217 = arith.cmpi slt, %xor3A_214, %lt3A_216 : vector<16xi32>
    %add3A_218 = arith.constant 16 : i32
    %add3A_219 = vector.broadcast %add3A_218 : i32 to vector<16xi32>
    %add3A_220 = arith.addi %xor3A_214, %add3A_219 : vector<16xi32>
    %select_n3A_221 = arith.select %lt3A_217, %add3A_220, %xor3A_214 : vector<16xi1>, vector<16xi32>
    %reshape3A_222 = vector.shape_cast %select_n3A_221 : vector<16xi32> to vector<16x1xi32>
    %gather3A_223 = vector.shape_cast %reshape3A_222 : vector<16x1xi32> to vector<16xi32>
    %gather3A_224 = tpu.dynamic_gather %max3A_210[%gather3A_223] in [0] : vector<16xf32>, vector<16xi32> -> vector<16xf32>
    %max3A_225 = arith.maximumf %max3A_210, %gather3A_224 : vector<16xf32>
    %iota3A_226 = tpu.iota {dimensions = array<i32: 0>} : vector<16xi32>
    %xor3A_227 = arith.constant 2 : i32
    %xor3A_228 = vector.broadcast %xor3A_227 : i32 to vector<16xi32>
    %xor3A_229 = arith.xori %iota3A_226, %xor3A_228 : vector<16xi32>
    %lt3A_230 = arith.constant 0 : i32
    %lt3A_231 = vector.broadcast %lt3A_230 : i32 to vector<16xi32>
    %lt3A_232 = arith.cmpi slt, %xor3A_229, %lt3A_231 : vector<16xi32>
    %add3A_233 = arith.constant 16 : i32
    %add3A_234 = vector.broadcast %add3A_233 : i32 to vector<16xi32>
    %add3A_235 = arith.addi %xor3A_229, %add3A_234 : vector<16xi32>
    %select_n3A_236 = arith.select %lt3A_232, %add3A_235, %xor3A_229 : vector<16xi1>, vector<16xi32>
    %reshape3A_237 = vector.shape_cast %select_n3A_236 : vector<16xi32> to vector<16x1xi32>
    %gather3A_238 = vector.shape_cast %reshape3A_237 : vector<16x1xi32> to vector<16xi32>
    %gather3A_239 = tpu.dynamic_gather %max3A_225[%gather3A_238] in [0] : vector<16xf32>, vector<16xi32> -> vector<16xf32>
    %max3A_240 = arith.maximumf %max3A_225, %gather3A_239 : vector<16xf32>
    %iota3A_241 = tpu.iota {dimensions = array<i32: 0>} : vector<16xi32>
    %xor3A_242 = arith.constant 1 : i32
    %xor3A_243 = vector.broadcast %xor3A_242 : i32 to vector<16xi32>
    %xor3A_244 = arith.xori %iota3A_241, %xor3A_243 : vector<16xi32>
    %lt3A_245 = arith.constant 0 : i32
    %lt3A_246 = vector.broadcast %lt3A_245 : i32 to vector<16xi32>
    %lt3A_247 = arith.cmpi slt, %xor3A_244, %lt3A_246 : vector<16xi32>
    %add3A_248 = arith.constant 16 : i32
    %add3A_249 = vector.broadcast %add3A_248 : i32 to vector<16xi32>
    %add3A_250 = arith.addi %xor3A_244, %add3A_249 : vector<16xi32>
    %select_n3A_251 = arith.select %lt3A_247, %add3A_250, %xor3A_244 : vector<16xi1>, vector<16xi32>
    %reshape3A_252 = vector.shape_cast %select_n3A_251 : vector<16xi32> to vector<16x1xi32>
    %gather3A_253 = vector.shape_cast %reshape3A_252 : vector<16x1xi32> to vector<16xi32>
    %gather3A_254 = tpu.dynamic_gather %max3A_240[%gather3A_253] in [0] : vector<16xf32>, vector<16xi32> -> vector<16xf32>
    %max3A_255 = arith.maximumf %max3A_240, %gather3A_254 : vector<16xf32>
    %sub3A_256 = arith.constant 1.000000e+00 : f32
    %sub3A_257 = vector.broadcast %sub3A_256 : f32 to vector<16xf32>
    %sub3A_258 = arith.subf %max3A_255, %sub3A_257 : vector<16xf32>
    %broadcast_in_dim3A_259 = arith.constant 0 : i32
    %broadcast_in_dim3A_260 = vector.broadcast %broadcast_in_dim3A_259 : i32 to vector<16xi32>
    %parallel_loop3A_261 = arith.constant 0 : i32
    %parallel_loop3A_262 = arith.constant 2048 : i32
    %parallel_loop3A_263 = arith.constant 1 : i32
    %parallel_loop3A_264 = scf.for %parallel_loop3A_374 = %parallel_loop3A_261 to %parallel_loop3A_262 step %parallel_loop3A_263 iter_args(%parallel_loop3A_375 = %broadcast_in_dim3A_260) -> (vector<16xi32>)  : i32 {
      %parallel_loop3A_376 = arith.constant 16 : i32
      %parallel_loop3A_377 = arith.muli %parallel_loop3A_374, %parallel_loop3A_376 : i32
      %parallel_loop3A_378 = arith.index_cast %parallel_loop3A_377 : i32 to index
      %parallel_loop3A_379 = tpu.vector_load %arg5[%parallel_loop3A_378] {strides = array<i32>} : memref<32768xf32, #tpu.memory_space<vmem>>, vector<16xf32>,
      %parallel_loop3A_380 = arith.cmpf ogt, %parallel_loop3A_379, %sub3A_258 : vector<16xf32>
      %parallel_loop3A_381 = arith.constant 4 : i32
      %parallel_loop3A_382 = vector.broadcast %parallel_loop3A_381 : i32 to vector<16xi32>
      %parallel_loop3A_383 = arith.shli %parallel_loop3A_375, %parallel_loop3A_382 : vector<16xi32>
      %parallel_loop3A_384 = arith.addi %parallel_loop3A_383, %iota3A : vector<16xi32>
      tpu.vector_store_idx %arg6[%parallel_loop3A_384], %parallel_loop3A_379 masked %parallel_loop3A_380 : memref<32768xf32, #tpu.memory_space<vmem>>[vector<16xi32>], vector<16xf32>, vector<16xi1>
      %parallel_loop3A_385 = arith.extui %parallel_loop3A_380 : vector<16xi1> to vector<16xi32>
      %parallel_loop3A_386 = arith.addi %parallel_loop3A_375, %parallel_loop3A_385 : vector<16xi32>
      scf.yield %parallel_loop3A_386 : vector<16xi32>
    } {sc.loop_unroll_factor = 16 : i64, sc.parallel_access}
    %iota3A_265 = tpu.iota {dimensions = array<i32: 0>} : vector<16xi32>
    %xor3A_266 = arith.constant 8 : i32
    %xor3A_267 = vector.broadcast %xor3A_266 : i32 to vector<16xi32>
    %xor3A_268 = arith.xori %iota3A_265, %xor3A_267 : vector<16xi32>
    %lt3A_269 = arith.constant 0 : i32
    %lt3A_270 = vector.broadcast %lt3A_269 : i32 to vector<16xi32>
    %lt3A_271 = arith.cmpi slt, %xor3A_268, %lt3A_270 : vector<16xi32>
    %add3A_272 = arith.constant 16 : i32
    %add3A_273 = vector.broadcast %add3A_272 : i32 to vector<16xi32>
    %add3A_274 = arith.addi %xor3A_268, %add3A_273 : vector<16xi32>
    %select_n3A_275 = arith.select %lt3A_271, %add3A_274, %xor3A_268 : vector<16xi1>, vector<16xi32>
    %reshape3A_276 = vector.shape_cast %select_n3A_275 : vector<16xi32> to vector<16x1xi32>
    %gather3A_277 = vector.shape_cast %reshape3A_276 : vector<16x1xi32> to vector<16xi32>
    %gather3A_278 = tpu.dynamic_gather %parallel_loop3A_264[%gather3A_277] in [0] : vector<16xi32>, vector<16xi32> -> vector<16xi32>
    %max3A_279 = arith.maxsi %parallel_loop3A_264, %gather3A_278 : vector<16xi32>
    %iota3A_280 = tpu.iota {dimensions = array<i32: 0>} : vector<16xi32>
    %xor3A_281 = arith.constant 4 : i32
    %xor3A_282 = vector.broadcast %xor3A_281 : i32 to vector<16xi32>
    %xor3A_283 = arith.xori %iota3A_280, %xor3A_282 : vector<16xi32>
    %lt3A_284 = arith.constant 0 : i32
    %lt3A_285 = vector.broadcast %lt3A_284 : i32 to vector<16xi32>
    %lt3A_286 = arith.cmpi slt, %xor3A_283, %lt3A_285 : vector<16xi32>
    %add3A_287 = arith.constant 16 : i32
    %add3A_288 = vector.broadcast %add3A_287 : i32 to vector<16xi32>
    %add3A_289 = arith.addi %xor3A_283, %add3A_288 : vector<16xi32>
    %select_n3A_290 = arith.select %lt3A_286, %add3A_289, %xor3A_283 : vector<16xi1>, vector<16xi32>
    %reshape3A_291 = vector.shape_cast %select_n3A_290 : vector<16xi32> to vector<16x1xi32>
    %gather3A_292 = vector.shape_cast %reshape3A_291 : vector<16x1xi32> to vector<16xi32>
    %gather3A_293 = tpu.dynamic_gather %max3A_279[%gather3A_292] in [0] : vector<16xi32>, vector<16xi32> -> vector<16xi32>
    %max3A_294 = arith.maxsi %max3A_279, %gather3A_293 : vector<16xi32>
    %iota3A_295 = tpu.iota {dimensions = array<i32: 0>} : vector<16xi32>
    %xor3A_296 = arith.constant 2 : i32
    %xor3A_297 = vector.broadcast %xor3A_296 : i32 to vector<16xi32>
    %xor3A_298 = arith.xori %iota3A_295, %xor3A_297 : vector<16xi32>
    %lt3A_299 = arith.constant 0 : i32
    %lt3A_300 = vector.broadcast %lt3A_299 : i32 to vector<16xi32>
    %lt3A_301 = arith.cmpi slt, %xor3A_298, %lt3A_300 : vector<16xi32>
    %add3A_302 = arith.constant 16 : i32
    %add3A_303 = vector.broadcast %add3A_302 : i32 to vector<16xi32>
    %add3A_304 = arith.addi %xor3A_298, %add3A_303 : vector<16xi32>
    %select_n3A_305 = arith.select %lt3A_301, %add3A_304, %xor3A_298 : vector<16xi1>, vector<16xi32>
    %reshape3A_306 = vector.shape_cast %select_n3A_305 : vector<16xi32> to vector<16x1xi32>
    %gather3A_307 = vector.shape_cast %reshape3A_306 : vector<16x1xi32> to vector<16xi32>
    %gather3A_308 = tpu.dynamic_gather %max3A_294[%gather3A_307] in [0] : vector<16xi32>, vector<16xi32> -> vector<16xi32>
    %max3A_309 = arith.maxsi %max3A_294, %gather3A_308 : vector<16xi32>
    %iota3A_310 = tpu.iota {dimensions = array<i32: 0>} : vector<16xi32>
    %xor3A_311 = arith.constant 1 : i32
    %xor3A_312 = vector.broadcast %xor3A_311 : i32 to vector<16xi32>
    %xor3A_313 = arith.xori %iota3A_310, %xor3A_312 : vector<16xi32>
    %lt3A_314 = arith.constant 0 : i32
    %lt3A_315 = vector.broadcast %lt3A_314 : i32 to vector<16xi32>
    %lt3A_316 = arith.cmpi slt, %xor3A_313, %lt3A_315 : vector<16xi32>
    %add3A_317 = arith.constant 16 : i32
    %add3A_318 = vector.broadcast %add3A_317 : i32 to vector<16xi32>
    %add3A_319 = arith.addi %xor3A_313, %add3A_318 : vector<16xi32>
    %select_n3A_320 = arith.select %lt3A_316, %add3A_319, %xor3A_313 : vector<16xi1>, vector<16xi32>
    %reshape3A_321 = vector.shape_cast %select_n3A_320 : vector<16xi32> to vector<16x1xi32>
    %gather3A_322 = vector.shape_cast %reshape3A_321 : vector<16x1xi32> to vector<16xi32>
    %gather3A_323 = tpu.dynamic_gather %max3A_309[%gather3A_322] in [0] : vector<16xi32>, vector<16xi32> -> vector<16xi32>
    %max3A_324 = arith.maxsi %max3A_309, %gather3A_323 : vector<16xi32>
    %slice3A_325 = vector.extract_strided_slice %max3A_324 {offsets = [0], sizes = [1], strides = [1]} : vector<16xi32> to vector<1xi32>
    %squeeze3A_326 = vector.extract %slice3A_325[0] : i32 from vector<1xi32>
    %while3A_327 = arith.constant 0 : i32
    %while3A_328 = arith.constant 0 : i32
    %while3A_329 = arith.subi %squeeze3A_326, %while3A_327 : i32
    %while3A_330 = arith.addi %while3A_327, %while3A_329 : i32
    %while3A_331 = arith.constant 1 : i32
    %while3A_332 = arith.divsi %while3A_329, %while3A_331 : i32
    %while3A_333 = arith.muli %while3A_332, %while3A_331 : i32
    %while3A_334 = arith.addi %while3A_327, %while3A_333 : i32
    %while3A_335 = arith.constant 1 : i32
    %while3A_336 = scf.for %while3A_374 = %while3A_327 to %while3A_334 step %while3A_335 iter_args(%while3A_375 = %while3A_328) -> (i32)  : i32 {
      %mul3A_376 = arith.constant 16 : i32
      %mul3A_377 = arith.muli %while3A_374, %mul3A_376 : i32
      %get3A = arith.index_cast %mul3A_377 : i32 to index
      %get3A_378 = tpu.vector_load %arg6[%get3A] {strides = array<i32>} : memref<32768xf32, #tpu.memory_space<vmem>>, vector<16xf32>,
      %gt3A = vector.broadcast %while3A_374 : i32 to vector<16xi32>
      %gt3A_379 = arith.cmpi sgt, %parallel_loop3A_264, %gt3A : vector<16xi32>
      %sub3A_380 = arith.constant 1.000000e+00 : f32
      %sub3A_381 = vector.broadcast %sub3A_380 : f32 to vector<16xf32>
      %sub3A_382 = arith.subf %sub3A_258, %sub3A_381 : vector<16xf32>
      %select_n3A_383 = arith.select %gt3A_379, %get3A_378, %sub3A_382 : vector<16xi1>, vector<16xf32>
      %mul3A_384 = arith.constant 16 : i32
      %mul3A_385 = arith.muli %while3A_374, %mul3A_384 : i32
      %swap3A = arith.index_cast %mul3A_385 : i32 to index
      %swap3A_386 = tpu.vector_load %arg6[%swap3A] {strides = array<i32>} : memref<32768xf32, #tpu.memory_space<vmem>>, vector<16xf32>,
      tpu.vector_store %arg6[%swap3A], %select_n3A_383 {strides = array<i32>} : memref<32768xf32, #tpu.memory_space<vmem>>, vector<16xf32>,
      %while3A_387 = arith.constant 0 : i32
      scf.yield %while3A_387 : i32
    }
    %while3A_337 = arith.constant 1 : i32
    %while3A_338 = scf.for %while3A_374 = %while3A_334 to %while3A_330 step %while3A_337 iter_args(%while3A_375 = %while3A_336) -> (i32)  : i32 {
      %mul3A_376 = arith.constant 16 : i32
      %mul3A_377 = arith.muli %while3A_374, %mul3A_376 : i32
      %get3A = arith.index_cast %mul3A_377 : i32 to index
      %get3A_378 = tpu.vector_load %arg6[%get3A] {strides = array<i32>} : memref<32768xf32, #tpu.memory_space<vmem>>, vector<16xf32>,
      %gt3A = vector.broadcast %while3A_374 : i32 to vector<16xi32>
      %gt3A_379 = arith.cmpi sgt, %parallel_loop3A_264, %gt3A : vector<16xi32>
      %sub3A_380 = arith.constant 1.000000e+00 : f32
      %sub3A_381 = vector.broadcast %sub3A_380 : f32 to vector<16xf32>
      %sub3A_382 = arith.subf %sub3A_258, %sub3A_381 : vector<16xf32>
      %select_n3A_383 = arith.select %gt3A_379, %get3A_378, %sub3A_382 : vector<16xi1>, vector<16xf32>
      %mul3A_384 = arith.constant 16 : i32
      %mul3A_385 = arith.muli %while3A_374, %mul3A_384 : i32
      %swap3A = arith.index_cast %mul3A_385 : i32 to index
      %swap3A_386 = tpu.vector_load %arg6[%swap3A] {strides = array<i32>} : memref<32768xf32, #tpu.memory_space<vmem>>, vector<16xf32>,
      tpu.vector_store %arg6[%swap3A], %select_n3A_383 {strides = array<i32>} : memref<32768xf32, #tpu.memory_space<vmem>>, vector<16xf32>,
      %while3A_387 = arith.constant 0 : i32
      scf.yield %while3A_387 : i32
    }
    %scan3A_339 = arith.constant 0 : i32
    %scan3A_340 = arith.constant 14 : i32
    %scan3A_341 = arith.addi %scan3A_339, %scan3A_340 : i32
    %scan3A_342 = arith.constant 1 : i32
    %scan3A_343:2 = scf.for %scan3A_374 = %scan3A_339 to %scan3A_341 step %scan3A_342 iter_args(%scan3A_375 = %sub3A_258, %scan3A_376 = %max3A_255) -> (vector<16xf32>, vector<16xf32>)  : i32 {
      %add3A_377 = arith.addf %scan3A_375, %scan3A_376 : vector<16xf32>
      %mul3A_378 = arith.constant 5.000000e-01 : f32
      %mul3A_379 = vector.broadcast %mul3A_378 : f32 to vector<16xf32>
      %mul3A_380 = arith.mulf %mul3A_379, %add3A_377 : vector<16xf32>
      %broadcast_in_dim3A_381 = arith.constant 0.000000e+00 : f32
      %broadcast_in_dim3A_382 = vector.broadcast %broadcast_in_dim3A_381 : f32 to vector<16xf32>
      %while3A_383 = arith.constant 0 : i32
      %while3A_384 = arith.subi %squeeze3A_326, %while3A_383 : i32
      %while3A_385 = arith.addi %while3A_383, %while3A_384 : i32
      %while3A_386 = arith.constant 1 : i32
      %while3A_387 = arith.divsi %while3A_384, %while3A_386 : i32
      %while3A_388 = arith.muli %while3A_387, %while3A_386 : i32
      %while3A_389 = arith.addi %while3A_383, %while3A_388 : i32
      %while3A_390 = arith.constant 1 : i32
      %while3A_391 = scf.for %while3A_458 = %while3A_383 to %while3A_389 step %while3A_390 iter_args(%while3A_459 = %broadcast_in_dim3A_382) -> (vector<16xf32>)  : i32 {
        %mul3A_460 = arith.constant 16 : i32
        %mul3A_461 = arith.muli %while3A_458, %mul3A_460 : i32
        %get3A = arith.index_cast %mul3A_461 : i32 to index
        %get3A_462 = tpu.vector_load %arg6[%get3A] {strides = array<i32>} : memref<32768xf32, #tpu.memory_space<vmem>>, vector<16xf32>,
        %sub3A_463 = arith.subf %get3A_462, %mul3A_380 : vector<16xf32>
        %max3A_464 = arith.constant 0.000000e+00 : f32
        %max3A_465 = vector.broadcast %max3A_464 : f32 to vector<16xf32>
        %max3A_466 = arith.maximumf %sub3A_463, %max3A_465 : vector<16xf32>
        %add3A_467 = arith.addf %while3A_459, %max3A_466 : vector<16xf32>
        scf.yield %add3A_467 : vector<16xf32>
      }
      %while3A_392 = arith.constant 1 : i32
      %while3A_393 = scf.for %while3A_458 = %while3A_389 to %while3A_385 step %while3A_392 iter_args(%while3A_459 = %while3A_391) -> (vector<16xf32>)  : i32 {
        %mul3A_460 = arith.constant 16 : i32
        %mul3A_461 = arith.muli %while3A_458, %mul3A_460 : i32
        %get3A = arith.index_cast %mul3A_461 : i32 to index
        %get3A_462 = tpu.vector_load %arg6[%get3A] {strides = array<i32>} : memref<32768xf32, #tpu.memory_space<vmem>>, vector<16xf32>,
        %sub3A_463 = arith.subf %get3A_462, %mul3A_380 : vector<16xf32>
        %max3A_464 = arith.constant 0.000000e+00 : f32
        %max3A_465 = vector.broadcast %max3A_464 : f32 to vector<16xf32>
        %max3A_466 = arith.maximumf %sub3A_463, %max3A_465 : vector<16xf32>
        %add3A_467 = arith.addf %while3A_459, %max3A_466 : vector<16xf32>
        scf.yield %add3A_467 : vector<16xf32>
      }
      %iota3A_394 = tpu.iota {dimensions = array<i32: 0>} : vector<16xi32>
      %xor3A_395 = arith.constant 8 : i32
      %xor3A_396 = vector.broadcast %xor3A_395 : i32 to vector<16xi32>
      %xor3A_397 = arith.xori %iota3A_394, %xor3A_396 : vector<16xi32>
      %lt3A_398 = arith.constant 0 : i32
      %lt3A_399 = vector.broadcast %lt3A_398 : i32 to vector<16xi32>
      %lt3A_400 = arith.cmpi slt, %xor3A_397, %lt3A_399 : vector<16xi32>
      %add3A_401 = arith.constant 16 : i32
      %add3A_402 = vector.broadcast %add3A_401 : i32 to vector<16xi32>
      %add3A_403 = arith.addi %xor3A_397, %add3A_402 : vector<16xi32>
      %select_n3A_404 = arith.select %lt3A_400, %add3A_403, %xor3A_397 : vector<16xi1>, vector<16xi32>
      %reshape3A_405 = vector.shape_cast %select_n3A_404 : vector<16xi32> to vector<16x1xi32>
      %gather3A_406 = vector.shape_cast %reshape3A_405 : vector<16x1xi32> to vector<16xi32>
      %gather3A_407 = tpu.dynamic_gather %while3A_393[%gather3A_406] in [0] : vector<16xf32>, vector<16xi32> -> vector<16xf32>
      %add3A_408 = arith.addf %while3A_393, %gather3A_407 : vector<16xf32>
      %iota3A_409 = tpu.iota {dimensions = array<i32: 0>} : vector<16xi32>
      %xor3A_410 = arith.constant 4 : i32
      %xor3A_411 = vector.broadcast %xor3A_410 : i32 to vector<16xi32>
      %xor3A_412 = arith.xori %iota3A_409, %xor3A_411 : vector<16xi32>
      %lt3A_413 = arith.constant 0 : i32
      %lt3A_414 = vector.broadcast %lt3A_413 : i32 to vector<16xi32>
      %lt3A_415 = arith.cmpi slt, %xor3A_412, %lt3A_414 : vector<16xi32>
      %add3A_416 = arith.constant 16 : i32
      %add3A_417 = vector.broadcast %add3A_416 : i32 to vector<16xi32>
      %add3A_418 = arith.addi %xor3A_412, %add3A_417 : vector<16xi32>
      %select_n3A_419 = arith.select %lt3A_415, %add3A_418, %xor3A_412 : vector<16xi1>, vector<16xi32>
      %reshape3A_420 = vector.shape_cast %select_n3A_419 : vector<16xi32> to vector<16x1xi32>
      %gather3A_421 = vector.shape_cast %reshape3A_420 : vector<16x1xi32> to vector<16xi32>
      %gather3A_422 = tpu.dynamic_gather %add3A_408[%gather3A_421] in [0] : vector<16xf32>, vector<16xi32> -> vector<16xf32>
      %add3A_423 = arith.addf %add3A_408, %gather3A_422 : vector<16xf32>
      %iota3A_424 = tpu.iota {dimensions = array<i32: 0>} : vector<16xi32>
      %xor3A_425 = arith.constant 2 : i32
      %xor3A_426 = vector.broadcast %xor3A_425 : i32 to vector<16xi32>
      %xor3A_427 = arith.xori %iota3A_424, %xor3A_426 : vector<16xi32>
      %lt3A_428 = arith.constant 0 : i32
      %lt3A_429 = vector.broadcast %lt3A_428 : i32 to vector<16xi32>
      %lt3A_430 = arith.cmpi slt, %xor3A_427, %lt3A_429 : vector<16xi32>
      %add3A_431 = arith.constant 16 : i32
      %add3A_432 = vector.broadcast %add3A_431 : i32 to vector<16xi32>
      %add3A_433 = arith.addi %xor3A_427, %add3A_432 : vector<16xi32>
      %select_n3A_434 = arith.select %lt3A_430, %add3A_433, %xor3A_427 : vector<16xi1>, vector<16xi32>
      %reshape3A_435 = vector.shape_cast %select_n3A_434 : vector<16xi32> to vector<16x1xi32>
      %gather3A_436 = vector.shape_cast %reshape3A_435 : vector<16x1xi32> to vector<16xi32>
      %gather3A_437 = tpu.dynamic_gather %add3A_423[%gather3A_436] in [0] : vector<16xf32>, vector<16xi32> -> vector<16xf32>
      %add3A_438 = arith.addf %add3A_423, %gather3A_437 : vector<16xf32>
      %iota3A_439 = tpu.iota {dimensions = array<i32: 0>} : vector<16xi32>
      %xor3A_440 = arith.constant 1 : i32
      %xor3A_441 = vector.broadcast %xor3A_440 : i32 to vector<16xi32>
      %xor3A_442 = arith.xori %iota3A_439, %xor3A_441 : vector<16xi32>
      %lt3A_443 = arith.constant 0 : i32
      %lt3A_444 = vector.broadcast %lt3A_443 : i32 to vector<16xi32>
      %lt3A_445 = arith.cmpi slt, %xor3A_442, %lt3A_444 : vector<16xi32>
      %add3A_446 = arith.constant 16 : i32
      %add3A_447 = vector.broadcast %add3A_446 : i32 to vector<16xi32>
      %add3A_448 = arith.addi %xor3A_442, %add3A_447 : vector<16xi32>
      %select_n3A_449 = arith.select %lt3A_445, %add3A_448, %xor3A_442 : vector<16xi1>, vector<16xi32>
      %reshape3A_450 = vector.shape_cast %select_n3A_449 : vector<16xi32> to vector<16x1xi32>
      %gather3A_451 = vector.shape_cast %reshape3A_450 : vector<16x1xi32> to vector<16xi32>
      %gather3A_452 = tpu.dynamic_gather %add3A_438[%gather3A_451] in [0] : vector<16xf32>, vector<16xi32> -> vector<16xf32>
      %add3A_453 = arith.addf %add3A_438, %gather3A_452 : vector<16xf32>
      %ge3A = arith.constant 1.000000e+00 : f32
      %ge3A_454 = vector.broadcast %ge3A : f32 to vector<16xf32>
      %ge3A_455 = arith.cmpf oge, %add3A_453, %ge3A_454 : vector<16xf32>
      %select_n3A_456 = arith.select %ge3A_455, %mul3A_380, %scan3A_375 : vector<16xi1>, vector<16xf32>
      %select_n3A_457 = arith.select %ge3A_455, %scan3A_376, %mul3A_380 : vector<16xi1>, vector<16xf32>
      scf.yield %select_n3A_456, %select_n3A_457 : vector<16xf32>, vector<16xf32>
    }
    %scan3A_344 = arith.constant 14 : i32
    %scan3A_345 = arith.constant 0 : i32
    %scan3A_346 = arith.constant 3 : i32
    %scan3A_347 = arith.addi %scan3A_345, %scan3A_346 : i32
    %scan3A_348 = arith.constant 1 : i32
    %scan3A_349 = scf.for %scan3A_374 = %scan3A_345 to %scan3A_347 step %scan3A_348 iter_args(%scan3A_375 = %scan3A_343#0) -> (vector<16xf32>)  : i32 {
      %broadcast_in_dim3A_376 = arith.constant 0.000000e+00 : f32
      %broadcast_in_dim3A_377 = vector.broadcast %broadcast_in_dim3A_376 : f32 to vector<16xf32>
      %broadcast_in_dim3A_378 = arith.constant 0.000000e+00 : f32
      %broadcast_in_dim3A_379 = vector.broadcast %broadcast_in_dim3A_378 : f32 to vector<16xf32>
      %while3A_380 = arith.constant 0 : i32
      %while3A_381 = arith.subi %squeeze3A_326, %while3A_380 : i32
      %while3A_382 = arith.addi %while3A_380, %while3A_381 : i32
      %while3A_383 = arith.constant 1 : i32
      %while3A_384 = arith.divsi %while3A_381, %while3A_383 : i32
      %while3A_385 = arith.muli %while3A_384, %while3A_383 : i32
      %while3A_386 = arith.addi %while3A_380, %while3A_385 : i32
      %while3A_387 = arith.constant 1 : i32
      %while3A_388:2 = scf.for %while3A_514 = %while3A_380 to %while3A_386 step %while3A_387 iter_args(%while3A_515 = %broadcast_in_dim3A_377, %while3A_516 = %broadcast_in_dim3A_379) -> (vector<16xf32>, vector<16xf32>)  : i32 {
        %mul3A_517 = arith.constant 16 : i32
        %mul3A_518 = arith.muli %while3A_514, %mul3A_517 : i32
        %get3A = arith.index_cast %mul3A_518 : i32 to index
        %get3A_519 = tpu.vector_load %arg6[%get3A] {strides = array<i32>} : memref<32768xf32, #tpu.memory_space<vmem>>, vector<16xf32>,
        %gt3A = arith.cmpf ogt, %get3A_519, %scan3A_375 : vector<16xf32>
        %convert_element_type3A = arith.extui %gt3A : vector<16xi1> to vector<16xi32>
        %convert_element_type3A_520 = arith.sitofp %convert_element_type3A : vector<16xi32> to vector<16xf32>
        %add3A_521 = arith.addf %while3A_515, %convert_element_type3A_520 : vector<16xf32>
        %jit3A = arith.constant 0.000000e+00 : f32
        %broadcast_in_dim3A_522 = vector.broadcast %jit3A : f32 to vector<16xf32>
        %select_n3A_523 = arith.select %gt3A, %get3A_519, %broadcast_in_dim3A_522 : vector<16xi1>, vector<16xf32>
        %add3A_524 = arith.addf %while3A_516, %select_n3A_523 : vector<16xf32>
        scf.yield %add3A_521, %add3A_524 : vector<16xf32>, vector<16xf32>
      }
      %while3A_389 = arith.constant 1 : i32
      %while3A_390:2 = scf.for %while3A_514 = %while3A_386 to %while3A_382 step %while3A_389 iter_args(%while3A_515 = %while3A_388#0, %while3A_516 = %while3A_388#1) -> (vector<16xf32>, vector<16xf32>)  : i32 {
        %mul3A_517 = arith.constant 16 : i32
        %mul3A_518 = arith.muli %while3A_514, %mul3A_517 : i32
        %get3A = arith.index_cast %mul3A_518 : i32 to index
        %get3A_519 = tpu.vector_load %arg6[%get3A] {strides = array<i32>} : memref<32768xf32, #tpu.memory_space<vmem>>, vector<16xf32>,
        %gt3A = arith.cmpf ogt, %get3A_519, %scan3A_375 : vector<16xf32>
        %convert_element_type3A = arith.extui %gt3A : vector<16xi1> to vector<16xi32>
        %convert_element_type3A_520 = arith.sitofp %convert_element_type3A : vector<16xi32> to vector<16xf32>
        %add3A_521 = arith.addf %while3A_515, %convert_element_type3A_520 : vector<16xf32>
        %jit3A = arith.constant 0.000000e+00 : f32
        %broadcast_in_dim3A_522 = vector.broadcast %jit3A : f32 to vector<16xf32>
        %select_n3A_523 = arith.select %gt3A, %get3A_519, %broadcast_in_dim3A_522 : vector<16xi1>, vector<16xf32>
        %add3A_524 = arith.addf %while3A_516, %select_n3A_523 : vector<16xf32>
        scf.yield %add3A_521, %add3A_524 : vector<16xf32>, vector<16xf32>
      }
      %iota3A_391 = tpu.iota {dimensions = array<i32: 0>} : vector<16xi32>
      %xor3A_392 = arith.constant 8 : i32
      %xor3A_393 = vector.broadcast %xor3A_392 : i32 to vector<16xi32>
      %xor3A_394 = arith.xori %iota3A_391, %xor3A_393 : vector<16xi32>
      %lt3A_395 = arith.constant 0 : i32
      %lt3A_396 = vector.broadcast %lt3A_395 : i32 to vector<16xi32>
      %lt3A_397 = arith.cmpi slt, %xor3A_394, %lt3A_396 : vector<16xi32>
      %add3A_398 = arith.constant 16 : i32
      %add3A_399 = vector.broadcast %add3A_398 : i32 to vector<16xi32>
      %add3A_400 = arith.addi %xor3A_394, %add3A_399 : vector<16xi32>
      %select_n3A_401 = arith.select %lt3A_397, %add3A_400, %xor3A_394 : vector<16xi1>, vector<16xi32>
      %reshape3A_402 = vector.shape_cast %select_n3A_401 : vector<16xi32> to vector<16x1xi32>
      %gather3A_403 = vector.shape_cast %reshape3A_402 : vector<16x1xi32> to vector<16xi32>
      %gather3A_404 = tpu.dynamic_gather %while3A_390#1[%gather3A_403] in [0] : vector<16xf32>, vector<16xi32> -> vector<16xf32>
      %add3A_405 = arith.addf %while3A_390#1, %gather3A_404 : vector<16xf32>
      %iota3A_406 = tpu.iota {dimensions = array<i32: 0>} : vector<16xi32>
      %xor3A_407 = arith.constant 4 : i32
      %xor3A_408 = vector.broadcast %xor3A_407 : i32 to vector<16xi32>
      %xor3A_409 = arith.xori %iota3A_406, %xor3A_408 : vector<16xi32>
      %lt3A_410 = arith.constant 0 : i32
      %lt3A_411 = vector.broadcast %lt3A_410 : i32 to vector<16xi32>
      %lt3A_412 = arith.cmpi slt, %xor3A_409, %lt3A_411 : vector<16xi32>
      %add3A_413 = arith.constant 16 : i32
      %add3A_414 = vector.broadcast %add3A_413 : i32 to vector<16xi32>
      %add3A_415 = arith.addi %xor3A_409, %add3A_414 : vector<16xi32>
      %select_n3A_416 = arith.select %lt3A_412, %add3A_415, %xor3A_409 : vector<16xi1>, vector<16xi32>
      %reshape3A_417 = vector.shape_cast %select_n3A_416 : vector<16xi32> to vector<16x1xi32>
      %gather3A_418 = vector.shape_cast %reshape3A_417 : vector<16x1xi32> to vector<16xi32>
      %gather3A_419 = tpu.dynamic_gather %add3A_405[%gather3A_418] in [0] : vector<16xf32>, vector<16xi32> -> vector<16xf32>
      %add3A_420 = arith.addf %add3A_405, %gather3A_419 : vector<16xf32>
      %iota3A_421 = tpu.iota {dimensions = array<i32: 0>} : vector<16xi32>
      %xor3A_422 = arith.constant 2 : i32
      %xor3A_423 = vector.broadcast %xor3A_422 : i32 to vector<16xi32>
      %xor3A_424 = arith.xori %iota3A_421, %xor3A_423 : vector<16xi32>
      %lt3A_425 = arith.constant 0 : i32
      %lt3A_426 = vector.broadcast %lt3A_425 : i32 to vector<16xi32>
      %lt3A_427 = arith.cmpi slt, %xor3A_424, %lt3A_426 : vector<16xi32>
      %add3A_428 = arith.constant 16 : i32
      %add3A_429 = vector.broadcast %add3A_428 : i32 to vector<16xi32>
      %add3A_430 = arith.addi %xor3A_424, %add3A_429 : vector<16xi32>
      %select_n3A_431 = arith.select %lt3A_427, %add3A_430, %xor3A_424 : vector<16xi1>, vector<16xi32>
      %reshape3A_432 = vector.shape_cast %select_n3A_431 : vector<16xi32> to vector<16x1xi32>
      %gather3A_433 = vector.shape_cast %reshape3A_432 : vector<16x1xi32> to vector<16xi32>
      %gather3A_434 = tpu.dynamic_gather %add3A_420[%gather3A_433] in [0] : vector<16xf32>, vector<16xi32> -> vector<16xf32>
      %add3A_435 = arith.addf %add3A_420, %gather3A_434 : vector<16xf32>
      %iota3A_436 = tpu.iota {dimensions = array<i32: 0>} : vector<16xi32>
      %xor3A_437 = arith.constant 1 : i32
      %xor3A_438 = vector.broadcast %xor3A_437 : i32 to vector<16xi32>
      %xor3A_439 = arith.xori %iota3A_436, %xor3A_438 : vector<16xi32>
      %lt3A_440 = arith.constant 0 : i32
      %lt3A_441 = vector.broadcast %lt3A_440 : i32 to vector<16xi32>
      %lt3A_442 = arith.cmpi slt, %xor3A_439, %lt3A_441 : vector<16xi32>
      %add3A_443 = arith.constant 16 : i32
      %add3A_444 = vector.broadcast %add3A_443 : i32 to vector<16xi32>
      %add3A_445 = arith.addi %xor3A_439, %add3A_444 : vector<16xi32>
      %select_n3A_446 = arith.select %lt3A_442, %add3A_445, %xor3A_439 : vector<16xi1>, vector<16xi32>
      %reshape3A_447 = vector.shape_cast %select_n3A_446 : vector<16xi32> to vector<16x1xi32>
      %gather3A_448 = vector.shape_cast %reshape3A_447 : vector<16x1xi32> to vector<16xi32>
      %gather3A_449 = tpu.dynamic_gather %add3A_435[%gather3A_448] in [0] : vector<16xf32>, vector<16xi32> -> vector<16xf32>
      %add3A_450 = arith.addf %add3A_435, %gather3A_449 : vector<16xf32>
      %sub3A_451 = arith.constant 1.000000e+00 : f32
      %sub3A_452 = vector.broadcast %sub3A_451 : f32 to vector<16xf32>
      %sub3A_453 = arith.subf %add3A_450, %sub3A_452 : vector<16xf32>
      %iota3A_454 = tpu.iota {dimensions = array<i32: 0>} : vector<16xi32>
      %xor3A_455 = arith.constant 8 : i32
      %xor3A_456 = vector.broadcast %xor3A_455 : i32 to vector<16xi32>
      %xor3A_457 = arith.xori %iota3A_454, %xor3A_456 : vector<16xi32>
      %lt3A_458 = arith.constant 0 : i32
      %lt3A_459 = vector.broadcast %lt3A_458 : i32 to vector<16xi32>
      %lt3A_460 = arith.cmpi slt, %xor3A_457, %lt3A_459 : vector<16xi32>
      %add3A_461 = arith.constant 16 : i32
      %add3A_462 = vector.broadcast %add3A_461 : i32 to vector<16xi32>
      %add3A_463 = arith.addi %xor3A_457, %add3A_462 : vector<16xi32>
      %select_n3A_464 = arith.select %lt3A_460, %add3A_463, %xor3A_457 : vector<16xi1>, vector<16xi32>
      %reshape3A_465 = vector.shape_cast %select_n3A_464 : vector<16xi32> to vector<16x1xi32>
      %gather3A_466 = vector.shape_cast %reshape3A_465 : vector<16x1xi32> to vector<16xi32>
      %gather3A_467 = tpu.dynamic_gather %while3A_390#0[%gather3A_466] in [0] : vector<16xf32>, vector<16xi32> -> vector<16xf32>
      %add3A_468 = arith.addf %while3A_390#0, %gather3A_467 : vector<16xf32>
      %iota3A_469 = tpu.iota {dimensions = array<i32: 0>} : vector<16xi32>
      %xor3A_470 = arith.constant 4 : i32
      %xor3A_471 = vector.broadcast %xor3A_470 : i32 to vector<16xi32>
      %xor3A_472 = arith.xori %iota3A_469, %xor3A_471 : vector<16xi32>
      %lt3A_473 = arith.constant 0 : i32
      %lt3A_474 = vector.broadcast %lt3A_473 : i32 to vector<16xi32>
      %lt3A_475 = arith.cmpi slt, %xor3A_472, %lt3A_474 : vector<16xi32>
      %add3A_476 = arith.constant 16 : i32
      %add3A_477 = vector.broadcast %add3A_476 : i32 to vector<16xi32>
      %add3A_478 = arith.addi %xor3A_472, %add3A_477 : vector<16xi32>
      %select_n3A_479 = arith.select %lt3A_475, %add3A_478, %xor3A_472 : vector<16xi1>, vector<16xi32>
      %reshape3A_480 = vector.shape_cast %select_n3A_479 : vector<16xi32> to vector<16x1xi32>
      %gather3A_481 = vector.shape_cast %reshape3A_480 : vector<16x1xi32> to vector<16xi32>
      %gather3A_482 = tpu.dynamic_gather %add3A_468[%gather3A_481] in [0] : vector<16xf32>, vector<16xi32> -> vector<16xf32>
      %add3A_483 = arith.addf %add3A_468, %gather3A_482 : vector<16xf32>
      %iota3A_484 = tpu.iota {dimensions = array<i32: 0>} : vector<16xi32>
      %xor3A_485 = arith.constant 2 : i32
      %xor3A_486 = vector.broadcast %xor3A_485 : i32 to vector<16xi32>
      %xor3A_487 = arith.xori %iota3A_484, %xor3A_486 : vector<16xi32>
      %lt3A_488 = arith.constant 0 : i32
      %lt3A_489 = vector.broadcast %lt3A_488 : i32 to vector<16xi32>
      %lt3A_490 = arith.cmpi slt, %xor3A_487, %lt3A_489 : vector<16xi32>
      %add3A_491 = arith.constant 16 : i32
      %add3A_492 = vector.broadcast %add3A_491 : i32 to vector<16xi32>
      %add3A_493 = arith.addi %xor3A_487, %add3A_492 : vector<16xi32>
      %select_n3A_494 = arith.select %lt3A_490, %add3A_493, %xor3A_487 : vector<16xi1>, vector<16xi32>
      %reshape3A_495 = vector.shape_cast %select_n3A_494 : vector<16xi32> to vector<16x1xi32>
      %gather3A_496 = vector.shape_cast %reshape3A_495 : vector<16x1xi32> to vector<16xi32>
      %gather3A_497 = tpu.dynamic_gather %add3A_483[%gather3A_496] in [0] : vector<16xf32>, vector<16xi32> -> vector<16xf32>
      %add3A_498 = arith.addf %add3A_483, %gather3A_497 : vector<16xf32>
      %iota3A_499 = tpu.iota {dimensions = array<i32: 0>} : vector<16xi32>
      %xor3A_500 = arith.constant 1 : i32
      %xor3A_501 = vector.broadcast %xor3A_500 : i32 to vector<16xi32>
      %xor3A_502 = arith.xori %iota3A_499, %xor3A_501 : vector<16xi32>
      %lt3A_503 = arith.constant 0 : i32
      %lt3A_504 = vector.broadcast %lt3A_503 : i32 to vector<16xi32>
      %lt3A_505 = arith.cmpi slt, %xor3A_502, %lt3A_504 : vector<16xi32>
      %add3A_506 = arith.constant 16 : i32
      %add3A_507 = vector.broadcast %add3A_506 : i32 to vector<16xi32>
      %add3A_508 = arith.addi %xor3A_502, %add3A_507 : vector<16xi32>
      %select_n3A_509 = arith.select %lt3A_505, %add3A_508, %xor3A_502 : vector<16xi1>, vector<16xi32>
      %reshape3A_510 = vector.shape_cast %select_n3A_509 : vector<16xi32> to vector<16x1xi32>
      %gather3A_511 = vector.shape_cast %reshape3A_510 : vector<16x1xi32> to vector<16xi32>
      %gather3A_512 = tpu.dynamic_gather %add3A_498[%gather3A_511] in [0] : vector<16xf32>, vector<16xi32> -> vector<16xf32>
      %add3A_513 = arith.addf %add3A_498, %gather3A_512 : vector<16xf32>
      %div3A = arith.divf %sub3A_453, %add3A_513 : vector<16xf32>
      scf.yield %div3A : vector<16xf32>
    }
    %scan3A_350 = arith.constant 3 : i32
    %parallel_loop3A_351 = arith.constant 0 : i32
    %parallel_loop3A_352 = arith.constant 2048 : i32
    %parallel_loop3A_353 = arith.constant 1 : i32
    scf.for %parallel_loop3A_374 = %parallel_loop3A_351 to %parallel_loop3A_352 step %parallel_loop3A_353  : i32 {
      %parallel_loop3A_375 = arith.constant 16 : i32
      %parallel_loop3A_376 = arith.muli %parallel_loop3A_374, %parallel_loop3A_375 : i32
      %parallel_loop3A_377 = arith.index_cast %parallel_loop3A_376 : i32 to index
      %parallel_loop3A_378 = tpu.vector_load %arg5[%parallel_loop3A_377] {strides = array<i32>} : memref<32768xf32, #tpu.memory_space<vmem>>, vector<16xf32>,
      %parallel_loop3A_379 = arith.subf %parallel_loop3A_378, %scan3A_349 : vector<16xf32>
      %parallel_loop3A_380 = arith.constant 0.000000e+00 : f32
      %parallel_loop3A_381 = vector.broadcast %parallel_loop3A_380 : f32 to vector<16xf32>
      %parallel_loop3A_382 = arith.maximumf %parallel_loop3A_379, %parallel_loop3A_381 : vector<16xf32>
      %parallel_loop3A_383 = arith.index_cast %parallel_loop3A_376 : i32 to index
      %parallel_loop3A_384 = tpu.vector_load %arg5[%parallel_loop3A_383] {strides = array<i32>} : memref<32768xf32, #tpu.memory_space<vmem>>, vector<16xf32>,
      tpu.vector_store %arg5[%parallel_loop3A_383], %parallel_loop3A_382 {strides = array<i32>} : memref<32768xf32, #tpu.memory_space<vmem>>, vector<16xf32>,
    } {sc.loop_unroll_factor = 16 : i64, sc.parallel_access}
    %add3A_354 = arith.constant 1 : i32
    %add3A_355 = arith.addi %mul3A_2, %add3A_354 : i32
    %dma_start3A_356 = arith.constant 0 : i32
    %dma_start3A_357 = tpu.memref_slice %arg3[%add3A_355, %dma_start3A_356] : memref<64x32768xf32, #tpu.memory_space<hbm>> -> memref<1x32768xf32, #tpu.memory_space<hbm>>
    %dma_start3A_358 = tpu.memref_squeeze %dma_start3A_357 : memref<1x32768xf32, #tpu.memory_space<hbm>> -> memref<32768xf32, #tpu.memory_space<hbm>>
    %dma_start3A_359 = arith.constant 0 : i32
    %dma_start3A_360 = tpu.memref_slice %arg3[%add3A_355, %dma_start3A_359] : memref<64x32768xf32, #tpu.memory_space<hbm>> -> memref<1x32768xf32, #tpu.memory_space<hbm>>
    %dma_start3A_361 = tpu.memref_squeeze %dma_start3A_360 : memref<1x32768xf32, #tpu.memory_space<hbm>> -> memref<32768xf32, #tpu.memory_space<hbm>>
    tpu.enqueue_dma source(%arg5 : memref<32768xf32, #tpu.memory_space<vmem>>) target(%dma_start3A_361 : memref<32768xf32, #tpu.memory_space<hbm>>) target_semaphore(%arg10 : memref<!tpu.dma_semaphore, #tpu.memory_space<semaphore_mem>>)
    %dma_wait3A_362 = arith.constant 0 : i32
    %dma_wait3A_363 = tpu.memref_slice %arg3[%mul3A_2, %dma_wait3A_362] : memref<64x32768xf32, #tpu.memory_space<hbm>> -> memref<1x32768xf32, #tpu.memory_space<hbm>>
    %dma_wait3A_364 = tpu.memref_squeeze %dma_wait3A_363 : memref<1x32768xf32, #tpu.memory_space<hbm>> -> memref<32768xf32, #tpu.memory_space<hbm>>
    %dma_wait3A_365 = arith.constant 0 : i32
    %dma_wait3A_366 = tpu.memref_slice %arg3[%mul3A_2, %dma_wait3A_365] : memref<64x32768xf32, #tpu.memory_space<hbm>> -> memref<1x32768xf32, #tpu.memory_space<hbm>>
    %dma_wait3A_367 = tpu.memref_squeeze %dma_wait3A_366 : memref<1x32768xf32, #tpu.memory_space<hbm>> -> memref<32768xf32, #tpu.memory_space<hbm>>
    tpu.wait_dma2 semaphore(%arg9 : memref<!tpu.dma_semaphore, #tpu.memory_space<semaphore_mem>>) src(%arg4 : memref<32768xf32, #tpu.memory_space<vmem>>) dst(%dma_wait3A_367 : memref<32768xf32, #tpu.memory_space<hbm>>)
    %dma_wait3A_368 = arith.constant 0 : i32
    %dma_wait3A_369 = tpu.memref_slice %arg3[%add3A_355, %dma_wait3A_368] : memref<64x32768xf32, #tpu.memory_space<hbm>> -> memref<1x32768xf32, #tpu.memory_space<hbm>>
    %dma_wait3A_370 = tpu.memref_squeeze %dma_wait3A_369 : memref<1x32768xf32, #tpu.memory_space<hbm>> -> memref<32768xf32, #tpu.memory_space<hbm>>
    %dma_wait3A_371 = arith.constant 0 : i32
    %dma_wait3A_372 = tpu.memref_slice %arg3[%add3A_355, %dma_wait3A_371] : memref<64x32768xf32, #tpu.memory_space<hbm>> -> memref<1x32768xf32, #tpu.memory_space<hbm>>
    %dma_wait3A_373 = tpu.memref_squeeze %dma_wait3A_372 : memref<1x32768xf32, #tpu.memory_space<hbm>> -> memref<32768xf32, #tpu.memory_space<hbm>>
    tpu.wait_dma2 semaphore(%arg10 : memref<!tpu.dma_semaphore, #tpu.memory_space<semaphore_mem>>) src(%arg5 : memref<32768xf32, #tpu.memory_space<vmem>>) dst(%dma_wait3A_373 : memref<32768xf32, #tpu.memory_space<hbm>>)
    return
  }
}

</mosaic_0001>

<sc_bundles>
// kernel: kernel.3.cloned.1.call-start
scs
__scs_entry_jumppad:
0x0: {  	(pc) =	sbr.rel $0x88, $3  }
0x1: {  	(tag) =	ssettag $0x0;
	lr =	simm.s32 $0x1  }
0x2: {  	[smem:$0x3FA0] =	sst lr;
	_ =	strace $0xD0000000  }
0x3: {  	_ = 	snop  }
0x4: {  	_ = 	snop  }
0x5: {  	_ = 	snop  }
0x6: {  	_ = 	snop  }
0x7: {  	_ = 	snop  }
__scs_overlays_trampoline_lowered:
0x8: {  	[smem:$0x3FAF] =	sst s0  }
0x9: {  	[smem:$0x3FB0] =	sst s1  }
0xa: {  	[smem:$0x3FB1] =	sst s2  }
0xb: {  	[smem:$0x3FB2] =	sst s3  }
0xc: {  	[smem:$0x3FB3] =	sst s4  }
0xd: {  	[smem:$0x3FB4] =	sst s5  }
0xe: {  	[smem:$0x3FB5] =	sst s6  }
0xf: {  	[smem:$0x3FB6] =	sst s7  }
0x10: {  	[smem:$0x3FB7] =	sst s8  }
0x11: {  	[smem:$0x3FB8] =	sst s9;
	s0 =	simm.s32 @!p0 $0x0  }
0x12: {  	s1 =	sld [smem:$0x3F9E];
	s0 =	simm.s32 @p0 $0x1  }
0x13: {  	[smem:$0x3FB9] =	sst s0;
	s0 =	simm.s32 @!p1 $0x0  }
0x14: {  	s2 =	sld [smem:$0x3F9D];
	s0 =	simm.s32 @p1 $0x1  }
0x15: {  	[smem:$0x3FBA] =	sst s0;
	s0 =	simm.s32 @!p2 $0x0  }
0x16: {  	s3 =	sld [smem:$0x3FDB];
	s0 =	simm.s32 @p2 $0x1  }
0x17: {  	s4 =	simm.s32 $0x1BF5;
	[smem:$0x3FBC] =	sst s0  }
0x18: {  	s0 =	sld [smem:$0x3F9F];
	_ =	swait.ge [sflag:s4], $0x0  }
0x19: {  	s7 =	sld [smem:$0x3FA0]  }
0x1a: {  	s8 =	sadd.s32 $0xFFFFE003, lr  }
0x1b: {  	s9 =	sadd.s32 $0xFFFFFEF7, lr;
	s5 =	simm.s32 $0xFFFFFFFF;
	p2 =	slt.u32 s8, $0xFFFFF086  }
0x1c: {  	p1 =	slt.u32 s9, $0xF7A;
	s5 =	simm.s32 @!p2 $0x0  }
0x1d: {  	s5 =	simm.s32 @p1 $0x1;
	p0 =	seq.s32 s7, s2  }
0x1e: {  	s7 =	smul.u32 @!p0 $0xF7A, s2;
	p2 =	seq.s32 @!p0 s5, $0x0  }
0x1f: {  	s9 =	smul.u32 $0xF7A, s1;
	s8 =	simm.s32 @!p0 $0x1BF5;
	p2 =	por !p2, p0  }
0x20: {  	[sflag:s8] =	ssyncset.s32 @!p0 $0xFFFFF086;
	s6 =	sadd.s32 @!p0 s3, s7;
	s7 =	simm.s32 @!p0 $0x108  }
0x21: {  	s3 =	sadd.s32 s3, s9;
	s6 =	sadd.s32 @!p0 $0x88, s6;
	s7 =	simm.s32 @p2 $0x1082  }
0x22: {  	[simem:s7], [sflag:s8] =	dma.local @!p0 [hbm:s6], $0xF7A  }
0x23: {  	s9 =	sor.u32 $0xD0000000, s2;
	s6 =	simm.s32 $0x108;
	_ =	swait.ge @!p0 [sflag:s8], $0x0  }
0x24: {  	s3 =	sadd.s32 $0x88, s3;
	s6 =	simm.s32 @!p1 $0x1082;
	[sflag:s4] =	ssyncset.s32 $0xFFFFF086  }
0x25: {  	[simem:s6], [sflag:s4] =	dma.local [hbm:s3], $0xF7A  }
0x26: {  	[smem:$0x3FA0] =	sst s1;
	(tag) =	ssettag s2;
	_ =	strace s9  }
0x27: {  	s1 =	sld [smem:$0x3FB0]  }
0x28: {  	s2 =	sld [smem:$0x3FB1]  }
0x29: {  	s4 =	sld [smem:$0x3FB3]  }
0x2a: {  	p0 =	seq.s32 s5, $0x0;
	s5 =	sld [smem:$0x3FB4]  }
0x2b: {  	s6 =	sld [smem:$0x3FB5]  }
0x2c: {  	s7 =	sld [smem:$0x3FB6]  }
0x2d: {  	s3 =	simm.s32 $0x108;
	s8 =	sld [smem:$0x3FB7]  }
0x2e: {  	s3 =	simm.s32 @!p0 $0x1082;
	s9 =	sld [smem:$0x3FB8]  }
0x2f: {  	lr =	sadd.s32 s0, s3;
	s0 =	sld [smem:$0x3FAF]  }
0x30: {  	s3 =	sld [smem:$0x3FB2]  }
0x31: {  	[smem:$0x3FBB] =	sst s10  }
0x32: {  	s10 =	sld [smem:$0x3FB9];
	_ =	sdelay $0x3  }
0x33: {  	p0 =	seq.s32 s10, $0x1;
	s10 =	sld [smem:$0x3FBB];
	_ =	sdelay $0x3  }
0x34: {  	[smem:$0x3FBB] =	sst s10  }
0x35: {  	s10 =	sld [smem:$0x3FBA];
	_ =	sdelay $0x3  }
0x36: {  	p1 =	seq.s32 s10, $0x1;
	s10 =	sld [smem:$0x3FBB];
	_ =	sdelay $0x3  }
0x37: {  	[smem:$0x3FBB] =	sst s10  }
0x38: {  	s10 =	sld [smem:$0x3FBC]  }
0x39: {  	_ = 	snop;
	(pc) =	sbr.ind lr, $3  }
0x3a: {  	_ = 	snop  }
0x3b: {  	_ = 	snop  }
0x3c: {  	p2 =	seq.s32 s10, $0x1;
	s10 =	sld [smem:$0x3FBB]  }
0x3d: {  	_ =	shalt  }
0x3e: {  	_ =	shalt  }
0x3f: {  	_ =	shalt  }
0x40: {  	_ =	shalt  }
0x41: {  	_ =	shalt  }
0x42: {  	_ =	shalt  }
0x43: {  	_ =	shalt  }
0x44: {  	_ =	shalt  }
0x45: {  	_ =	shalt  }
0x46: {  	_ =	shalt  }
0x47: {  	_ =	shalt  }
0x48: {  	_ =	shalt  }
0x49: {  	_ =	shalt  }
0x4a: {  	_ =	shalt  }
0x4b: {  	_ =	shalt  }
0x4c: {  	_ =	shalt  }
0x4d: {  	_ =	shalt  }
0x4e: {  	_ =	shalt  }
0x4f: {  	_ =	shalt  }
0x50: {  	_ =	shalt  }
0x51: {  	_ =	shalt  }
0x52: {  	_ =	shalt  }
0x53: {  	_ =	shalt  }
0x54: {  	_ =	shalt  }
0x55: {  	_ =	shalt  }
0x56: {  	_ =	shalt  }
0x57: {  	_ =	shalt  }
0x58: {  	_ =	shalt  }
0x59: {  	_ =	shalt  }
0x5a: {  	_ =	shalt  }
0x5b: {  	_ =	shalt  }
0x5c: {  	_ =	shalt  }
0x5d: {  	_ =	shalt  }
0x5e: {  	_ =	shalt  }
0x5f: {  	_ =	shalt  }
0x60: {  	_ =	shalt  }
0x61: {  	_ =	shalt  }
0x62: {  	_ =	shalt  }
0x63: {  	_ =	shalt  }
0x64: {  	_ =	shalt  }
0x65: {  	_ =	shalt  }
0x66: {  	_ =	shalt  }
0x67: {  	_ =	shalt  }
0x68: {  	_ =	shalt  }
0x69: {  	_ =	shalt  }
0x6a: {  	_ =	shalt  }
0x6b: {  	_ =	shalt  }
0x6c: {  	_ =	shalt  }
0x6d: {  	_ =	shalt  }
0x6e: {  	_ =	shalt  }
0x6f: {  	_ =	shalt  }
0x70: {  	_ =	shalt  }
0x71: {  	_ =	shalt  }
0x72: {  	_ =	shalt  }
0x73: {  	_ =	shalt  }
0x74: {  	_ =	shalt  }
0x75: {  	_ =	shalt  }
0x76: {  	_ =	shalt  }
0x77: {  	_ =	shalt  }
0x78: {  	_ =	shalt  }
0x79: {  	_ =	shalt  }
0x7a: {  	_ =	shalt  }
0x7b: {  	_ =	shalt  }
0x7c: {  	_ =	shalt  }
0x7d: {  	_ =	shalt  }
0x7e: {  	_ =	shalt  }
0x7f: {  	_ =	shalt  }
0x80: {  	_ =	shalt  }
0x81: {  	_ =	shalt  }
0x82: {  	_ =	shalt  }
0x83: {  	_ =	shalt  }
0x84: {  	_ =	shalt  }
0x85: {  	_ =	shalt  }
0x86: {  	_ =	shalt  }
0x87: {  	_ =	shalt  }
.Lfunc_end0:
.L_simem_size_0:
called_computation_lowered:
.L_overlay_start_0:
0x88: {  	s2 =	sld [smem:$0x3FD9]  }
0x89: {  	s3 =	sld [smem:$0x3FFE];
	_ =	sdelay $0x1  }
0x8a: {  	s1 =	srdreg.scid  }
0x8b: {  	s0 =	sand.u32 $0x1, s1  }
0x8c: {  	s18 =	sshll.u32 s0, $0xA;
	s2 =	sadd.s32 s3, s2  }
0x8d: {  	s2 =	sadd.s32 s2, s18  }
0x8e: {  	[smem:$0x3FC7] =	sst s2  }
0x8f: {  	_ = 	snop  }
0x90: {  	s2 =	sld [smem:$0x3FC9]  }
0x91: {  	s19 =	sld [smem:$0x3FD0];
	(tm) =	ssettm $0x1  }
0x92: {  	s4 =	sld [smem:$0x3FFB];
	_ =	sdelay $0x3  }
0x93: {  	_ =	strace s4  }
0x94: {  	s4 =	sld [smem:$0x3FFC];
	_ =	sdelay $0x3  }
0x95: {  	_ =	strace s4  }
0x96: {  	s4 =	sld [smem:$0x3FFD];
	_ =	sdelay $0x3  }
0x97: {  	_ =	strace s4  }
0x98: {  	_ =	strace $0x8FFFFFFF  }
0x99: {  	s20 =	sld [smem:$0x3FDB];
	_ =	sdelay $0x1  }
0x9a: {  	s5 =	simm.s32 $_scs_section_size  }
0x9b: {  	s6 =	simm.s32 $_size__tile_overlayer_lowered;
	s7 =	simm.s32 $_tile_overlayer_lowered  }
0x9c: {  	s23 =	simm.s32 $0x1BFF;
	s22 =	sshll.u32 s7, $0x1;
	s4 =	sadd.s32 s5, s20  }
0x9d: {  	s8 =	simm.s32 $0x0;
	s21 =	sshll.u32 s6, $0x1;
	s6 =	sadd.s32 s22, s4  }
0x9e: {  	[timem:s8], [sflag:s23] =	dma.local [hbm:s6], s21  }
0x9f: {  	_ =	swait.ge [sflag:s23], s21  }
0xa0: {  	s5 =	ssub.s32 $0x0, s21;
	[sflag:s23] =	ssyncset.done $0x0  }
0xa1: {  	[sflag:s23] =	ssyncadd.s32 s5;
	_ =	sdelay $0x1  }
0xa2: {  	s24 =	simm.s32 $0x1B8B  }
0xa3: {  	_ =	swait.ge [sflag:s24], $0x1  }
0xa4: {  	[sflag:s24] =	ssyncset.done $0x0  }
0xa5: {  	s25 =	simm.s32 $0x1B8E;
	[sflag:s24] =	ssyncadd.s32 $0xFFFFFFFF  }
0xa6: {  	s26 =	simm.s32 $execute0_lowered;
	[smem:$0x3FD2] =	sst s25  }
0xa7: {  	s5 =	sshll.u32 s26, $0x1;
	_ =	strace $0x80000046;
	[dreg:$0x1] =	wrdreg $0xFFFFFFFF  }
0xa8: {  	s28 =	simm.s32 $_size_execute0_lowered;
	s4 =	sadd.s32 s4, s5;
	[dreg:$0x0] =	wrdreg $0x0  }
0xa9: {  	s5 =	sshll.u32 s28, $0x1;
	[dreg:$0x2] =	wrdreg s4  }
0xaa: {  	[dreg:$0x3] =	wrdreg s5  }
0xab: {  	[dreg:$0x4] =	wrdreg $0xC0  }
0xac: {  	_ =	task [dreg:s8], $0x5FFFF  }
0xad: {  	[dreg:$0x1] =	wrdreg $0xFFFFFFFF  }
0xae: {  	[dreg:$0x0] =	wrdreg $0x60  }
0xaf: {  	[dreg:$0x2] =	wrdreg s2  }
0xb0: {  	[dreg:$0x3] =	wrdreg s19  }
0xb1: {  	[dreg:$0x4] =	wrdreg $0x9  }
0xb2: {  	_ =	task.clear_ibuf [dreg:s8], $0x5FFFF;
	_ =	strace $0x90000046  }
0xb3: {  	s29 =	simm.s32 $0x9;
	_ =	strace $0x80000048  }
0xb4: {  	_ =	swait.ge [sflag:s29], $0x1  }
0xb5: {  	[sflag:s29] =	ssyncadd.s32 $0xFFFFFFFF  }
0xb6: {  	_ =	strace $0x90000048  }
0xb7: {  	_ =	sfence  }
0xb8: {  	s30 =	sld [smem:$0x0];
	_ =	sdelay $0x2  }
0xb9: {  	s31 =	sshll.u32 s1, $0xD;
	s1 =	sshrl.u32 s1, $0x2  }
0xba: {  	s3 =	sand.u32 $0x4000, s31;
	s1 =	sadd.s32 s1, s30  }
0xbb: {  	s0 =	sor.u32 s3, s0;
	s1 =	sshll.u32 s1, $0x11  }
0xbc: {  	s0 =	sor.u32 s1, s0  }
0xbd: {  	s0 =	sadd.s32 $0x8F2B, s0  }
0xbe: {  	[sflag:s0] =	ssyncadd.remote.s32 $0x1  }
0xbf: {  	_ =	sfence.sel $0xFFFF  }
0xc0: {  	[dreg:$0x0] =	wrdreg $0xFFFFFFFF;
	(pc) =	sbr.abs _section_cstart, $3  }
0xc1: {  	[dreg:$0x1] =	wrdreg $0xFFFFFFFF  }
0xc2: {  	_ =	task.clear_ibuf [dreg:s8], $0x2FFFF;
	_ =	strace $0x9FFFFFFF  }
0xc3: {  	(tm) =	ssettm $0x7FFFFFFF  }
tec
execute0_lowered:
.L_overlay_start_1:
0x0: {  	(tag) =	ssettag $0x1  }
0x1: {  	s4 =	rddreg [dreg:$0x0]  }
0x2: {  	v0 =	vimm.s32 $0xFEDCBA98;
	s6 =	rddreg [dreg:$0x1]  }
0x3: {  	v1 =	vimm.s32 $0x76543210;
	s2 =	srdreg.scid;
	s0 =	stileid.u32;
	v2 =	vimm.s32 $0xBA98FEDC;
	v3 =	vimm.s32 $0x32107654  }
0x4: {  	s1 =	rddreg [dreg:$0x2];
	v4 =	vimm.s32 $0xDCFE98BA;
	v5 =	vimm.s32 $0x54761032;
	s9 =	simm.s32 $0x8000;
	s10 =	simm.s32 $0x1  }
0x5: {  	v6 =	vimm.s32 $0xEFCDAB89;
	v7 =	vimm.s32 $0x67452301;
	s11 =	simm.s32 $0x10000;
	s12 =	simm.s32 $0x80;
	s13 =	simm.s32 $0x2  }
0x6: {  	s14 =	simm.s32 $0x3;
	s15 =	simm.s32 $0x4;
	s16 =	simm.s32 $0x0;
	v0 =	vunpack.c.l.s4.s8 v0;
	v1 =	vunpack.c.l.s4.s8 v1;
	v2 =	vunpack.c.l.s4.s8 v2  }
0x7: {  	s3 =	sand.u32 $0x1, s2;
	s29 =	sshll.u32 s0, $0x6;
	s7 =	sshll.u32 s0, $0xE;
	v3 =	vunpack.c.l.s4.s8 v3;
	v4 =	vunpack.c.l.s4.s8 v4;
	v5 =	vunpack.c.l.s4.s8 v5  }
0x8: {  	s2 =	simm.s32 $0x0;
	v6 =	vunpack.c.l.s4.s8 v6;
	v7 =	vunpack.c.l.s4.s8 v7;
	s5 =	sshll.u32 s3, $0x5;
	s8 =	sand.u32 $0x40, s29;
	v0 =	vunpack.c.0.s8.s32 v0  }
0x9: {  	s7 =	sand.u32 $0x38000, s7;
	[smem:$0x7FF] =	sst s2;
	s3 =	ssub.s32 $0x2, s3;
	v1 =	vunpack.c.0.s8.s32 v1;
	v2 =	vunpack.c.0.s8.s32 v2;
	v3 =	vunpack.c.0.s8.s32 v3  }
0xa: {  	s5 =	sor.u32 s5, s8;
	_ =	strace $0x80000047;
	s30 =	sshrl.u32 s3, $0x1;
	v4 =	vunpack.c.0.s8.s32 v4;
	v5 =	vunpack.c.0.s8.s32 v5;
	v0 =	vand.u32 $0xF, v0  }
0xb: {  	s8 =	simm.s32 $0x400;
	v6 =	vunpack.c.0.s8.s32 v6;
	v7 =	vunpack.c.0.s8.s32 v7;
	s5 =	sor.u32 s7, s5;
	s7 =	ssub.s32 s3, s30;
	v0 =	vcombine.low v0, v1  }
0xc: {  	s31 =	sor.u32 $0x10, s5;
	s3 =	sadd.s32 s4, s5;
	s5 =	sadd.s32 s6, s5;
	v1 =	vcombine.low v3, v2;
	v2 =	vcombine.low v5, v4  }
0xd: {  	s7 =	smax.u32 s7, $0x1;
	s4 =	sadd.s32 s4, s31;
	s6 =	sadd.s32 s6, s31;
	v3 =	vcombine.low v7, v6;
	v4 =	vlaneseq.u32;
	v5 =	vimm.s32 $0x0  }
.LBB2_1:
0xe: {  	[tilespmem:s2], [sflag:$0x1] =	stream.strided.gather [hbm4b:s3+s12], $0x8000, s8, s12, $0x38;
	[tilespmem:$0x18000] =	vst v63  }
0xf: {  	_ = 	snop  }
0x10: {  	[tilespmem:s9], [sflag:$0x2] =	stream.strided.gather [hbm4b:s4+s12], $0x8000, s8, s12, $0x38;
	[tilespmem:$0x18000] =	vst v63  }
0x11: {  	_ =	swait.ge [sflag:s10], $0x8000  }
0x12: {  	[sflag:s10] =	ssyncset.done $0x0  }
0x13: {  	[sflag:s10] =	ssyncadd.s32 $0xFFFF8000  }
0x14: {  	v8 =	vld [tilespmem:s12+$0x40]  }
0x15: {  	v6 =	vld [tilespmem:s12+$0x50]  }
0x16: {  	v7 =	vld [tilespmem:s12+$0x60]  }
0x17: {  	v14 =	vld [tilespmem:s12+$0x0]  }
0x18: {  	v9 =	vld [tilespmem:s12+$0x10]  }
0x19: {  	v10 =	vld [tilespmem:s12+$0x20]  }
0x1a: {  	v15 =	vld [tilespmem:s12+$0xFFFFFFC0]  }
0x1b: {  	v11 =	vld [tilespmem:s12+$0xFFFFFFD0]  }
0x1c: {  	v16 =	vld [tilespmem:s12+$0xFFFFFF80]  }
0x1d: {  	v13 =	vld [tilespmem:s12+$0xFFFFFFE0]  }
0x1e: {  	v18 =	vld [tilespmem:s12+$0xFFFFFF90]  }
0x1f: {  	v19 =	vld [tilespmem:s12+$0xFFFFFFA0]  }
0x20: {  	v12 =	vimm.f32 $-Inf;
	v21 =	vld [tilespmem:s12+$0xFFFFFFB0]  }
0x21: {  	v20 =	vld [tilespmem:s12+$0xFFFFFFF0];
	v16 =	vmax.f32 v12, v16  }
0x22: {  	v17 =	vld [tilespmem:s12+$0x30];
	v15 =	vmax.f32 v16, v15  }
0x23: {  	s17 =	simm.s32 $0x0;
	s18 =	simm.s32 $0x180;
	v16 =	vld [tilespmem:s12+$0x70];
	v22 =	vmax.f32 v15, v14;
	v14 =	vimm.f32 $-Inf;
	v15 =	vimm.f32 $-Inf  }
.LBB2_2:
0x24: {  	v22 =	vmax.f32 v22, v8;
	v8 =	vld [tilespmem:s18+$0x40]  }
0x25: {  	v12 =	vmax.f32 v12, v18;
	v14 =	vmax.f32 v14, v19;
	v23 =	vld [tilespmem:s18+$0x50];
	v15 =	vmax.f32 v15, v21  }
0x26: {  	v11 =	vmax.f32 v12, v11;
	v12 =	vmax.f32 v14, v13;
	v18 =	vld [tilespmem:s18+$0x60];
	v13 =	vmax.f32 v15, v20  }
0x27: {  	v11 =	vmax.f32 v11, v9;
	v10 =	vmax.f32 v12, v10;
	v24 =	vld [tilespmem:s18+$0x0];
	v13 =	vmax.f32 v13, v17  }
0x28: {  	v12 =	vmax.f32 v11, v6;
	v14 =	vmax.f32 v10, v7;
	v9 =	vld [tilespmem:s18+$0x10];
	v15 =	vmax.f32 v13, v16  }
0x29: {  	v10 =	vld [tilespmem:s18+$0x20]  }
0x2a: {  	v16 =	vld [tilespmem:s18+$0xFFFFFFC0];
	v6 =	vmov v23  }
0x2b: {  	v11 =	vld [tilespmem:s18+$0xFFFFFFD0];
	v7 =	vmov v18  }
0x2c: {  	v17 =	vld [tilespmem:s18+$0xFFFFFF80]  }
0x2d: {  	s17 =	sadd.s32 $0x10, s17;
	v13 =	vld [tilespmem:s18+$0xFFFFFFE0]  }
0x2e: {  	p0 =	slt.u32 s17, $0x7F0;
	v18 =	vld [tilespmem:s18+$0xFFFFFF90]  }
.Ltmp0:
0x2f: {  	v19 =	vld [tilespmem:s18+$0xFFFFFFA0];
	(pc) =	sbr.rel @p0 .LBB2_2-.Ltmp0, $4  }
0x30: {  	v21 =	vld [tilespmem:s18+$0xFFFFFFB0]  }
0x31: {  	v17 =	vmax.f32 v22, v17;
	v20 =	vld [tilespmem:s18+$0xFFFFFFF0]  }
0x32: {  	v16 =	vmax.f32 v17, v16;
	v17 =	vld [tilespmem:s18+$0x30]  }
0x33: {  	v22 =	vmax.f32 v16, v24;
	v16 =	vld [tilespmem:s18+$0x70];
	s18 =	sadd.s32 $0x100, s18  }
0x34: {  	v8 =	vmax.f32 v22, v8  }
0x35: {  	v12 =	vmax.f32 v12, v18;
	v14 =	vmax.f32 v14, v19;
	v15 =	vmax.f32 v15, v21  }
0x36: {  	v11 =	vmax.f32 v12, v11;
	v12 =	vmax.f32 v14, v13;
	v13 =	vmax.f32 v15, v20  }
0x37: {  	v9 =	vmax.f32 v11, v9;
	v10 =	vmax.f32 v12, v10;
	v11 =	vmax.f32 v13, v17  }
0x38: {  	v6 =	vmax.f32 v9, v6;
	v7 =	vmax.f32 v10, v7;
	v9 =	vmax.f32 v11, v16  }
0x39: {  	v6 =	vmax.f32 v8, v6;
	v7 =	vmax.f32 v7, v9  }
0x3a: {  	v6 =	vmax.f32 v6, v7  }
0x3b: {  	v7 =	vperm.xlane v6, v0;
	_ =	sdelay $0x1  }
0x3c: {  	v6 =	vmax.f32 v6, v7  }
0x3d: {  	v7 =	vperm.xlane v6, v1;
	_ =	sdelay $0x1  }
0x3e: {  	v6 =	vmax.f32 v6, v7  }
0x3f: {  	v7 =	vperm.xlane v6, v2;
	_ =	sdelay $0x1  }
0x40: {  	s17 =	simm.s32 $0x80;
	v6 =	vmax.f32 v6, v7  }
0x41: {  	v25 =	vld [tilespmem:s17+$0xFFFFFF80];
	v7 =	vperm.xlane v6, v3  }
0x42: {  	v8 =	vld [tilespmem:s17+$0xFFFFFF90]  }
0x43: {  	v12 =	vld [tilespmem:s17+$0xFFFFFFC0];
	v7 =	vmax.f32 v6, v7  }
0x44: {  	v9 =	vld [tilespmem:s17+$0xFFFFFFA0];
	v6 =	vadd.f32 $-1.000000000e+00, v7  }
0x45: {  	v10 =	vld [tilespmem:s17+$0xFFFFFFB0];
	v11 =	vimm.s32 $0x0  }
0x46: {  	v13 =	vld [tilespmem:s17+$0xFFFFFFD0];
	v14 =	vshll.u32 v11, $0x4;
	vm0 =	vgt.f32 v25, v6  }
0x47: {  	v37 =	vor.u32 v4, v14;
	vm15 =	vgt.f32 v8, v6;
	v14 =	vsel vm0, $0x1, v5  }
0x48: {  	v16 =	vadd.s32 v14, v11;
	v11 =	vsel vm15, $0x1, v5  }
0x49: {  	v15 =	vld [tilespmem:s17+$0xFFFFFFE0];
	vm1 =	vgt.f32 v9, v6;
	v19 =	vadd.s32 v11, v16;
	v11 =	vimm.s32 $0x0  }
0x4a: {  	vm5 =	vgt.f32 v12, v6;
	v11 =	vsel vm1, $0xFFFFFFFF, v11  }
0x4b: {  	v18 =	vld [tilespmem:s17+$0xFFFFFFF0];
	vm6 =	vgt.f32 v13, v6;
	[tilespmem:$0x1FFD0] =	vst v11;
	v11 =	vsel vm1, $0x1, v5;
	vm1 =	vgt.f32 v10, v6  }
0x4c: {  	v22 =	vadd.s32 v11, v19;
	v11 =	vimm.s32 $0x0;
	v14 =	vsel vm1, $0x1, v5  }
0x4d: {  	v17 =	vsel vm5, $0x1, v5;
	v11 =	vsel vm1, $0xFFFFFFFF, v11;
	v24 =	vadd.s32 v14, v22  }
0x4e: {  	vm8 =	vgt.f32 v15, v6;
	v20 =	vsel vm6, $0x1, v5;
	v21 =	vld [tilespmem:s17+$0x0];
	[tilespmem:$0x1FFE0] =	vst v11;
	v26 =	vadd.s32 v17, v24  }
0x4f: {  	v23 =	vsel vm8, $0x1, v5;
	v11 =	vld [tilespmem:s17+$0x10];
	v28 =	vadd.s32 v20, v26  }
0x50: {  	vm1 =	vgt.f32 v18, v6;
	v14 =	vld [tilespmem:s17+$0x20];
	v30 =	vadd.s32 v23, v28;
	v23 =	vimm.s32 $0x0  }
0x51: {  	v17 =	vld [tilespmem:s17+$0x30];
	v23 =	vsel vm1, $0xFFFFFFFF, v23  }
0x52: {  	v20 =	vld [tilespmem:s17+$0x40];
	[tilespmem:$0x1FFF0] =	vst v23  }
0x53: {  	v27 =	vsel vm1, $0x1, v5;
	vm4 =	vgt.f32 v21, v6;
	v23 =	vld [tilespmem:s17+$0x50]  }
0x54: {  	v31 =	vadd.s32 v27, v30;
	v29 =	vsel vm4, $0x1, v5;
	v27 =	vld [tilespmem:s17+$0x60];
	vm7 =	vgt.f32 v11, v6  }
0x55: {  	v32 =	vadd.s32 v29, v31;
	v29 =	vld [tilespmem:s17+$0x70];
	vm9 =	vgt.f32 v14, v6;
	v33 =	vsel vm7, $0x1, v5  }
0x56: {  	vm10 =	vgt.f32 v17, v6;
	v34 =	vsel vm9, $0x1, v5;
	v33 =	vadd.s32 v33, v32  }
0x57: {  	vm11 =	vgt.f32 v20, v6;
	v35 =	vsel vm10, $0x1, v5;
	v34 =	vadd.s32 v34, v33  }
0x58: {  	v36 =	vsel vm11, $0x1, v5;
	v35 =	vadd.s32 v35, v34;
	vm12 =	vgt.f32 v23, v6  }
0x59: {  	vm13 =	vgt.f32 v27, v6;
	v38 =	vadd.s32 v36, v35;
	v62 =	vsel vm12, $0x1, v5  }
0x5a: {  	vm14 =	vgt.f32 v29, v6;
	v40 =	vsel vm13, $0x1, v5;
	v39 =	vadd.s32 v62, v38  }
0x5b: {  	v63 =	vsel vm14, $0x1, v5;
	v36 =	vshll.u32 v39, $0x4;
	v39 =	vadd.s32 v40, v39  }
0x5c: {  	s18 =	simm.s32 $0x0;
	[tilespmem:v37+s11+$0x0] =	vst.idx.msk vm0, v25;
	v37 =	vshll.u32 v38, $0x4;
	v38 =	vshll.u32 v39, $0x4;
	v25 =	vadd.s32 v63, v39  }
.LBB2_4:
0x5d: {  	v33 =	vshll.u32 v33, $0x4;
	v34 =	vshll.u32 v34, $0x4  }
0x5e: {  	v35 =	vshll.u32 v35, $0x4;
	v30 =	vshll.u32 v30, $0x4;
	v31 =	vshll.u32 v31, $0x4;
	s17 =	sadd.s32 $0x100, s17  }
0x5f: {  	v32 =	vshll.u32 v32, $0x4;
	v16 =	vshll.u32 v16, $0x4;
	v38 =	vor.u32 v4, v38;
	v40 =	vld [tilespmem:s17+$0xFFFFFF80]  }
0x60: {  	v24 =	vshll.u32 v24, $0x4;
	v36 =	vor.u32 v4, v36;
	v49 =	vor.u32 v4, v16;
	v16 =	vld [tilespmem:$0x1FFD0]  }
0x61: {  	v26 =	vshll.u32 v26, $0x4;
	v28 =	vshll.u32 v28, $0x4;
	v31 =	vor.u32 v4, v31;
	v41 =	vld [tilespmem:s17+$0xFFFFFF90]  }
0x62: {  	v19 =	vshll.u32 v19, $0x4;
	v22 =	vshll.u32 v22, $0x4;
	v37 =	vor.u32 v4, v37;
	v50 =	vld [tilespmem:s17+$0xFFFFFFD0]  }
0x63: {  	v34 =	vor.u32 v4, v34;
	v35 =	vor.u32 v4, v35;
	v32 =	vor.u32 v4, v32;
	v61 =	vld [tilespmem:s17+$0xFFFFFFE0]  }
0x64: {  	vm2 =	vmmov vm8;
	v33 =	vor.u32 v4, v33;
	v42 =	vor.u32 v4, v26;
	v52 =	vld [tilespmem:s17+$0x0];
	[tilespmem:v38+s11+$0x0] =	vst.idx.msk vm14, v29  }
0x65: {  	v43 =	vor.u32 v4, v28;
	v28 =	vor.u32 v4, v30;
	[tilespmem:v36+s11+$0x0] =	vst.idx.msk vm13, v27;
	vm0 =	vnez.u8 v16;
	v16 =	vld [tilespmem:$0x1FFE0]  }
0x66: {  	v39 =	vshll.u32 v25, $0x4;
	v45 =	vor.u32 v4, v19;
	v46 =	vor.u32 v4, v22;
	[tilespmem:v31+s11+$0x0] =	vst.idx.msk vm4, v21;
	v21 =	vld [tilespmem:$0x1FFF0]  }
0x67: {  	v44 =	vld [tilespmem:s17+$0xFFFFFFA0];
	v47 =	vor.u32 v4, v24;
	v39 =	vor.u32 v4, v39;
	[tilespmem:v37+s11+$0x0] =	vst.idx.msk vm12, v23  }
0x68: {  	vm14 =	vmmov vm15;
	vm12 =	vmmov vm6;
	vm13 =	vgt.f32 v40, v6;
	[tilespmem:v34+s11+$0x0] =	vst.idx.msk vm10, v17  }
0x69: {  	v48 =	vld [tilespmem:s17+$0xFFFFFFB0];
	vm15 =	vgt.f32 v41, v6;
	v17 =	vimm.s32 $0x0;
	[tilespmem:v33+s11+$0x0] =	vst.idx.msk vm9, v14;
	v14 =	vimm.s32 $0x0  }
0x6a: {  	vm6 =	vgt.f32 v50, v6;
	vm8 =	vgt.f32 v61, v6;
	[tilespmem:v43+s11+$0x0] =	vst.idx.msk vm2, v15;
	v15 =	vimm.s32 $0x0;
	v23 =	vld [tilespmem:s17+$0x50]  }
0x6b: {  	v60 =	vld [tilespmem:s17+$0xFFFFFFC0];
	vm3 =	vmmov vm0;
	vm1 =	vnez.u8 v16;
	vm4 =	vnez.u8 v21  }
0x6c: {  	[tilespmem:v35+s11+$0x0] =	vst.idx.msk vm11, v20;
	v29 =	vld [tilespmem:s17+$0x70];
	vm0 =	vmmov vm1;
	vm1 =	vmmov vm5;
	vm5 =	vgt.f32 v44, v6  }
0x6d: {  	v51 =	vld [tilespmem:s17+$0xFFFFFFF0];
	[tilespmem:v32+s11+$0x0] =	vst.idx.msk vm7, v11;
	v19 =	vsel vm15, $0x1, v5;
	v16 =	vsel vm13, $0x1, v5;
	v17 =	vsel vm5, $0xFFFFFFFF, v17  }
0x6e: {  	v16 =	vadd.s32 v16, v25;
	[tilespmem:$0x1FFD0] =	vst v17;
	v17 =	vsel vm5, $0x1, v5;
	vm5 =	vgt.f32 v48, v6  }
0x6f: {  	[tilespmem:v42+s11+$0x0] =	vst.idx.msk vm12, v13;
	vm12 =	vgt.f32 v23, v6;
	v19 =	vadd.s32 v19, v16;
	v14 =	vsel vm5, $0xFFFFFFFF, v14  }
0x70: {  	v11 =	vld [tilespmem:s17+$0x10];
	v22 =	vadd.s32 v17, v19;
	[tilespmem:$0x1FFE0] =	vst v14;
	v14 =	vsel vm5, $0x1, v5;
	vm5 =	vgt.f32 v60, v6  }
0x71: {  	[tilespmem:v49+s11+$0x0] =	vst.idx.msk vm14, v8;
	vm14 =	vgt.f32 v29, v6;
	v24 =	vadd.s32 v14, v22;
	v17 =	vsel vm5, $0x1, v5;
	v14 =	vld [tilespmem:s17+$0x20]  }
0x72: {  	v20 =	vsel vm6, $0x1, v5;
	[tilespmem:v28+s11+$0x0] =	vst.idx.msk vm4, v18;
	vm4 =	vgt.f32 v51, v6;
	v26 =	vadd.s32 v17, v24;
	v17 =	vld [tilespmem:s17+$0x30]  }
0x73: {  	v18 =	vsel vm8, $0x1, v5;
	v15 =	vsel vm4, $0xFFFFFFFF, v15;
	v28 =	vadd.s32 v20, v26;
	v20 =	vld [tilespmem:s17+$0x40]  }
0x74: {  	[tilespmem:$0x1FFF0] =	vst v15;
	v15 =	vsel vm4, $0x1, v5;
	vm4 =	vgt.f32 v52, v6;
	v30 =	vadd.s32 v18, v28  }
0x75: {  	v27 =	vld [tilespmem:s17+$0x60];
	vm7 =	vgt.f32 v11, v6;
	v13 =	vsel vm4, $0x1, v5;
	v31 =	vadd.s32 v15, v30  }
0x76: {  	[tilespmem:v47+s11+$0x0] =	vst.idx.msk vm1, v12;
	v12 =	vsel vm7, $0x1, v5;
	v32 =	vadd.s32 v13, v31;
	vm9 =	vgt.f32 v14, v6  }
0x77: {  	s18 =	sadd.s32 $0x10, s18;
	[tilespmem:v46+s11+$0x0] =	vst.idx.msk vm0, v10;
	v33 =	vadd.s32 v12, v32;
	v10 =	vsel vm9, $0x1, v5;
	vm10 =	vgt.f32 v17, v6  }
0x78: {  	p0 =	slt.u32 s18, $0x7F0;
	v34 =	vadd.s32 v10, v33;
	v12 =	vsel vm10, $0x1, v5;
	vm11 =	vgt.f32 v20, v6  }
.Ltmp1:
0x79: {  	v8 =	vmovc v41;
	v21 =	vsel vm12, $0x1, v5;
	v35 =	vadd.s32 v12, v34;
	v13 =	vsel vm11, $0x1, v5;
	(pc) =	sbr.rel @p0 .LBB2_4-.Ltmp1, $4  }
0x7a: {  	[tilespmem:v39+s11+$0x0] =	vst.idx.msk vm13, v40;
	vm13 =	vgt.f32 v27, v6;
	v25 =	vsel vm14, $0x1, v5;
	v18 =	vadd.s32 v13, v35  }
0x7b: {  	[tilespmem:v45+s11+$0x0] =	vst.idx.msk vm3, v9;
	v9 =	vmovc v44;
	v63 =	vsel vm13, $0x1, v5;
	v15 =	vmov v61;
	v62 =	vadd.s32 v21, v18  }
0x7c: {  	v10 =	vmovc v48;
	v12 =	vmovc v60;
	v37 =	vshll.u32 v18, $0x4;
	v21 =	vmov v52;
	v39 =	vadd.s32 v63, v62  }
0x7d: {  	v36 =	vshll.u32 v62, $0x4;
	v13 =	vmovc v50;
	v38 =	vshll.u32 v39, $0x4;
	v25 =	vadd.s32 v25, v39;
	v18 =	vmovc v51  }
0x7e: {  	v39 =	vperm.xlane v25, v0;
	_ =	sdelay $0x1  }
0x7f: {  	vm0 =	vgt.s32 v25, v39  }
0x80: {  	v39 =	vsel vm0, v25, v39  }
0x81: {  	v40 =	vperm.xlane v39, v1;
	_ =	sdelay $0x1  }
0x82: {  	vm0 =	vgt.s32 v39, v40  }
0x83: {  	v39 =	vsel vm0, v39, v40  }
0x84: {  	v40 =	vperm.xlane v39, v2;
	_ =	sdelay $0x1  }
0x85: {  	vm0 =	vgt.s32 v39, v40  }
0x86: {  	v39 =	vsel vm0, v39, v40  }
0x87: {  	v38 =	vor.u32 v4, v38;
	v40 =	vperm.xlane v39, v3  }
0x88: {  	v36 =	vor.u32 v4, v36  }
0x89: {  	v35 =	vshll.u32 v35, $0x4;
	v37 =	vor.u32 v4, v37;
	vm0 =	vgt.s32 v39, v40  }
0x8a: {  	v34 =	vshll.u32 v34, $0x4;
	v35 =	vor.u32 v4, v35;
	v39 =	vsel vm0, v39, v40  }
0x8b: {  	v33 =	vshll.u32 v33, $0x4;
	v34 =	vor.u32 v4, v34;
	(v2sf) =	vpush v39, $0x0  }
0x8c: {  	v32 =	vshll.u32 v32, $0x4;
	v33 =	vor.u32 v4, v33;
	[tilespmem:v38+s11+$0x0] =	vst.idx.msk vm14, v29  }
0x8d: {  	v55 =	vor.u32 v4, v32;
	[tilespmem:v36+s11+$0x0] =	vst.idx.msk vm13, v27  }
0x8e: {  	v54 =	vshll.u32 v31, $0x4;
	[tilespmem:v37+s11+$0x0] =	vst.idx.msk vm12, v23  }
0x8f: {  	v29 =	vor.u32 v4, v54;
	[tilespmem:v35+s11+$0x0] =	vst.idx.msk vm11, v20  }
0x90: {  	[tilespmem:v34+s11+$0x0] =	vst.idx.msk vm10, v17  }
0x91: {  	[tilespmem:v33+s11+$0x0] =	vst.idx.msk vm9, v14  }
0x92: {  	v60 =	vld [tilespmem:$0x1FFE0];
	[tilespmem:v55+s11+$0x0] =	vst.idx.msk vm7, v11  }
0x93: {  	v62 =	vld [tilespmem:$0x1FFD0]  }
0x94: {  	v56 =	vshll.u32 v28, $0x4;
	v57 =	vshll.u32 v26, $0x4;
	vm1 =	vmmov vm6;
	[tilespmem:v29+s11+$0x0] =	vst.idx.msk vm4, v21  }
0x95: {  	v58 =	vshll.u32 v24, $0x4;
	vm2 =	vmmov vm5;
	v23 =	vor.u32 v4, v56;
	v63 =	vld [tilespmem:$0x1FFF0]  }
0x96: {  	v59 =	vshll.u32 v22, $0x4;
	v61 =	vshll.u32 v19, $0x4;
	v20 =	vor.u32 v4, v57  }
0x97: {  	v16 =	vshll.u32 v16, $0x4;
	v17 =	vor.u32 v4, v58;
	vm3 =	vnez.u8 v60  }
0x98: {  	v16 =	vor.u32 v4, v16;
	vm3 =	vmmov vm3;
	vm12 =	vnez.u8 v62  }
0x99: {  	vm14 =	vmmov vm8;
	v14 =	vor.u32 v4, v59;
	vm5 =	vmmov vm12  }
0x9a: {  	v27 =	vshll.u32 v30, $0x4;
	v11 =	vor.u32 v4, v61;
	[tilespmem:v23+s11+$0x0] =	vst.idx.msk vm8, v15;
	vm14 =	vnez.u8 v63;
	s17 =	spop (v2sf)  }
0x9b: {  	v27 =	vor.u32 v4, v27;
	[tilespmem:v20+s11+$0x0] =	vst.idx.msk vm1, v13;
	p1 =	sgt.s32 s17, $0x0  }
.Ltmp2:
0x9c: {  	[tilespmem:v17+s11+$0x0] =	vst.idx.msk vm2, v12;
	(pc) =	sbr.rel @!p1 .LBB2_6-.Ltmp2, $4  }
0x9d: {  	[tilespmem:v16+s11+$0x0] =	vst.idx.msk vm15, v8  }
0x9e: {  	[tilespmem:v14+s11+$0x0] =	vst.idx.msk vm3, v10  }
0x9f: {  	[tilespmem:v11+s11+$0x0] =	vst.idx.msk vm5, v9  }
0xa0: {  	vm13 =	vmmov vm15;
	[tilespmem:v27+s11+$0x0] =	vst.idx.msk vm14, v18  }
0xa1: {  	s18 =	simm.s32 $0x10000  }
0xa2: {  	p0 =	seq.s32 s17, $0x1;
	v9 =	vld [tilespmem:s18+$0x0]  }
.Ltmp3:
0xa3: {  	_ = 	snop;
	(pc) =	sbr.rel @p0 .LBB2_20-.Ltmp3, $4  }
0xa4: {  	_ = 	snop  }
0xa5: {  	v8 =	vadd.f32 $-1.000000000e+00, v6;
	s19 =	simm.s32 $0x0  }
0xa6: {  	vm0 =	vgt.s32 v25, s19  }
0xa7: {  	s19 =	simm.s32 $0x1;
	v9 =	vsel vm0, v9, v8  }
.LBB2_19:
0xa8: {  	[tilespmem:s18+$0x0] =	vst v9;
	s18 =	sadd.s32 $0x10, s18;
	s20 =	smov.u32 s19;
	s19 =	sadd.s32 $0x1, s19  }
0xa9: {  	v9 =	vld [tilespmem:s18+$0x0];
	p0 =	seq.s32 s17, s19  }
.Ltmp4:
0xaa: {  	(pc) =	sbr.rel @!p0 .LBB2_19-.Ltmp4, $3  }
0xab: {  	_ =	sdelay $0x1  }
0xac: {  	vm0 =	vgt.s32 v25, s20  }
0xad: {  	v9 =	vsel vm0, v9, v8  }
.LBB2_20:
0xae: {  	[tilespmem:s18+$0x0] =	vst v9  }
.LBB2_6:
.Ltmp5:
0xaf: {  	(pc) =	sbr.rel .LBB2_7-.Ltmp5, $2  }
0xb0: {  	_ =	sdelay $0x2  }
0xb1: {  	s18 =	simm.s32 $0x0;
	p0 =	slt.s32 s17, $0x1  }
.LBB2_10:
0xb2: {  	v10 =	vmax.f32 v10, $0.0e+00  }
0xb3: {  	v9 =	vadd.f32 v10, v9  }
.LBB2_11:
0xb4: {  	_ = 	snop  }
0xb5: {  	v10 =	vperm.xlane v9, v0;
	_ =	sdelay $0x1  }
0xb6: {  	v9 =	vadd.f32 v10, v9;
	_ =	sdelay $0x1  }
0xb7: {  	v10 =	vperm.xlane v9, v1;
	_ =	sdelay $0x1  }
0xb8: {  	v9 =	vadd.f32 v10, v9;
	_ =	sdelay $0x1  }
0xb9: {  	v10 =	vperm.xlane v9, v2;
	_ =	sdelay $0x1  }
0xba: {  	v9 =	vadd.f32 v10, v9  }
0xbb: {  	s18 =	sadd.s32 $0x1, s18  }
0xbc: {  	p2 =	seq.s32 s18, $0xE;
	v10 =	vperm.xlane v9, v3  }
.Ltmp6:
0xbd: {  	_ = 	snop;
	(pc) =	sbr.rel @p2 .LBB2_12-.Ltmp6, $3  }
0xbe: {  	v9 =	vadd.f32 v10, v9;
	_ =	sdelay $0x1  }
0xbf: {  	vm0 =	vge.f32 v9, $1.000000000e+00  }
0xc0: {  	v6 =	vsel vm0, v8, v6;
	v7 =	vsel vm0, v7, v8  }
.LBB2_7:
.Ltmp7:
0xc1: {  	(pc) =	sbr.rel @p0 .LBB2_11-.Ltmp7, $3  }
0xc2: {  	_ = 	snop  }
0xc3: {  	v8 =	vadd.f32 v7, v6;
	_ =	sdelay $0x1  }
0xc4: {  	v9 =	vimm.f32 $0.0e+00;
	s20 =	simm.s32 $0x10000;
	v8 =	vmul.f32 $5.000000000e-01, v8  }
0xc5: {  	v10 =	vld [tilespmem:s20+$0x0]  }
0xc6: {  	p2 =	sne.s32 s17, $0x1  }
.Ltmp8:
0xc7: {  	_ = 	snop;
	(pc) =	sbr.rel @!p2 .LBB2_10-.Ltmp8, $3  }
0xc8: {  	_ =	sdelay $0x1  }
0xc9: {  	v10 =	vsub.f32 v10, v8  }
0xca: {  	s19 =	sadd.s32 $0xFFFFFFFF, s17;
	s20 =	sadd.s32 $0x10, s20  }
.LBB2_9:
0xcb: {  	v11 =	vld [tilespmem:s20+$0x0];
	p2 =	sne.s32 s19, $0x1;
	s19 =	sadd.s32 $0xFFFFFFFF, s19  }
.Ltmp9:
0xcc: {  	v10 =	vmax.f32 v10, $0.0e+00;
	(pc) =	sbr.rel @p2 .LBB2_9-.Ltmp9, $2  }
0xcd: {  	v9 =	vadd.f32 v10, v9;
	_ =	sdelay $0x2  }
0xce: {  	s20 =	sadd.s32 $0x10, s20;
	v10 =	vsub.f32 v11, v8  }
.Ltmp10:
0xcf: {  	_ = 	snop;
	(pc) =	sbr.rel .LBB2_10-.Ltmp10, $1  }
0xd0: {  	_ =	sdelay $0x3  }
.LBB2_12:
.Ltmp11:
0xd1: {  	(pc) =	sbr.rel @!p1 .LBB2_16-.Ltmp11, $2  }
0xd2: {  	_ =	sdelay $0x2  }
0xd3: {  	v9 =	vimm.f32 $0.0e+00;
	s19 =	simm.s32 $0x10000;
	v7 =	vimm.f32 $0.0e+00;
	v10 =	vimm.f32 $0.0e+00  }
0xd4: {  	v7 =	vld [tilespmem:s19+$0x0];
	p1 =	sne.s32 s17, $0x1  }
.Ltmp12:
0xd5: {  	_ = 	snop;
	(pc) =	sbr.rel @!p1 .LBB2_15-.Ltmp12, $2  }
0xd6: {  	_ =	sdelay $0x2  }
0xd7: {  	s18 =	sadd.s32 $0xFFFFFFFF, s17;
	s19 =	sadd.s32 $0x10, s19;
	v8 =	vimm.f32 $0.0e+00;
	v10 =	vimm.f32 $0.0e+00;
	vm0 =	vgt.f32 v7, v6  }
.LBB2_14:
0xd8: {  	p1 =	sne.s32 s18, $0x1;
	s18 =	sadd.s32 $0xFFFFFFFF, s18;
	v11 =	vsel vm0, $0x3F800000, v5;
	v12 =	vnsel vm0, $0x0, v7;
	v7 =	vld [tilespmem:s19+$0x0]  }
.Ltmp13:
0xd9: {  	v8 =	vadd.f32 v11, v8;
	v10 =	vadd.f32 v12, v10;
	(pc) =	sbr.rel @p1 .LBB2_14-.Ltmp13, $2  }
0xda: {  	_ =	sdelay $0x2  }
0xdb: {  	s19 =	sadd.s32 $0x10, s19;
	vm0 =	vgt.f32 v7, v6  }
.LBB2_15:
0xdc: {  	v6 =	vsel vm0, $0x3F800000, v5;
	v11 =	vnsel vm0, $0x0, v7  }
0xdd: {  	v7 =	vadd.f32 v6, v8;
	v10 =	vadd.f32 v11, v10  }
.LBB2_16:
0xde: {  	_ = 	snop  }
0xdf: {  	v6 =	vperm.xlane v7, v0;
	_ =	sdelay $0x1  }
0xe0: {  	v6 =	vadd.f32 v6, v7  }
0xe1: {  	v8 =	vand.u32 $0xF, v1  }
0xe2: {  	v7 =	vperm.xlane v6, v8;
	_ =	sdelay $0x1  }
0xe3: {  	v7 =	vadd.f32 v7, v6  }
0xe4: {  	v6 =	vand.u32 $0xF, v2  }
0xe5: {  	v11 =	vperm.xlane v7, v6;
	_ =	sdelay $0x1  }
0xe6: {  	v11 =	vadd.f32 v11, v7  }
0xe7: {  	v7 =	vand.u32 $0xF, v3  }
0xe8: {  	v12 =	vperm.xlane v11, v7;
	_ =	sdelay $0x1  }
0xe9: {  	v11 =	vadd.f32 v12, v11;
	_ =	sdelay $0x1  }
0xea: {  	(erf) = vrcp.f32 v11;
	_ =	sdelay $0x4  }
.Ltmp14:
0xeb: {  	_ = 	snop;
	(pc) =	sbr.rel @p0 .LBB2_17-.Ltmp14, $2  }
0xec: {  	_ =	sdelay $0x2  }
0xed: {  	v11 =	vpop (erf)  }
0xee: {  	v12 =	vperm.xlane v10, v0;
	_ =	sdelay $0x1  }
0xef: {  	v10 =	vadd.f32 v12, v10;
	_ =	sdelay $0x1  }
0xf0: {  	v12 =	vperm.xlane v10, v8;
	_ =	sdelay $0x1  }
0xf1: {  	v10 =	vadd.f32 v12, v10;
	_ =	sdelay $0x1  }
0xf2: {  	v12 =	vperm.xlane v10, v6;
	_ =	sdelay $0x1  }
0xf3: {  	v10 =	vadd.f32 v12, v10;
	_ =	sdelay $0x1  }
0xf4: {  	v12 =	vperm.xlane v10, v7;
	_ =	sdelay $0x1  }
0xf5: {  	s18 =	simm.s32 $0x10000;
	v12 =	vadd.f32 v12, v10  }
0xf6: {  	p1 =	sne.s32 s17, $0x1;
	v10 =	vld [tilespmem:s18+$0x0]  }
.Ltmp15:
0xf7: {  	v12 =	vadd.f32 $-1.000000000e+00, v12;
	(pc) =	sbr.rel @!p1 .LBB2_23-.Ltmp15, $3  }
0xf8: {  	_ = 	snop  }
0xf9: {  	v11 =	vmul.f32 v11, v12;
	_ =	sdelay $0x1  }
0xfa: {  	s19 =	simm.s32 $0x10010;
	s18 =	sadd.s32 $0xFFFFFFFF, s17;
	v12 =	vimm.f32 $0.0e+00;
	vm0 =	vgt.f32 v10, v11  }
.LBB2_22:
0xfb: {  	p1 =	sne.s32 s18, $0x1;
	s18 =	sadd.s32 $0xFFFFFFFF, s18;
	v13 =	vsel vm0, $0x3F800000, v5;
	v14 =	vnsel vm0, $0x0, v10;
	v10 =	vld [tilespmem:s19+$0x0]  }
.Ltmp16:
0xfc: {  	v9 =	vadd.f32 v13, v9;
	v12 =	vadd.f32 v14, v12;
	(pc) =	sbr.rel @p1 .LBB2_22-.Ltmp16, $2  }
0xfd: {  	_ =	sdelay $0x2  }
0xfe: {  	s19 =	sadd.s32 $0x10, s19;
	vm0 =	vgt.f32 v10, v11  }
.LBB2_23:
.Ltmp17:
0xff: {  	(pc) =	sbr.rel .LBB2_24-.Ltmp17, $3  }
0x100: {  	_ =	sdelay $0x1  }
0x101: {  	v11 =	vsel vm0, $0x3F800000, v5;
	v10 =	vnsel vm0, $0x0, v10  }
0x102: {  	v9 =	vadd.f32 v11, v9;
	v10 =	vadd.f32 v10, v12  }
.LBB2_17:
0x103: {  	v10 =	vimm.f32 $0.0e+00  }
.LBB2_24:
0x104: {  	_ = 	snop  }
0x105: {  	v11 =	vperm.xlane v9, v0;
	_ =	sdelay $0x1  }
0x106: {  	v9 =	vadd.f32 v11, v9;
	_ =	sdelay $0x1  }
0x107: {  	v11 =	vperm.xlane v9, v8;
	_ =	sdelay $0x1  }
0x108: {  	v9 =	vadd.f32 v11, v9;
	_ =	sdelay $0x1  }
0x109: {  	v11 =	vperm.xlane v9, v6;
	_ =	sdelay $0x1  }
0x10a: {  	v9 =	vadd.f32 v11, v9;
	_ =	sdelay $0x1  }
0x10b: {  	v11 =	vperm.xlane v9, v7;
	_ =	sdelay $0x1  }
0x10c: {  	v9 =	vadd.f32 v11, v9;
	_ =	sdelay $0x1  }
0x10d: {  	(erf) = vrcp.f32 v9;
	_ =	sdelay $0x4  }
.Ltmp18:
0x10e: {  	_ = 	snop;
	(pc) =	sbr.rel @p0 .LBB2_25-.Ltmp18, $2  }
0x10f: {  	_ =	sdelay $0x2  }
0x110: {  	v9 =	vimm.f32 $0.0e+00;
	v11 =	vpop (erf)  }
0x111: {  	v12 =	vperm.xlane v10, v0;
	_ =	sdelay $0x1  }
0x112: {  	v10 =	vadd.f32 v12, v10;
	_ =	sdelay $0x1  }
0x113: {  	v12 =	vperm.xlane v10, v8;
	_ =	sdelay $0x1  }
0x114: {  	v10 =	vadd.f32 v12, v10;
	_ =	sdelay $0x1  }
0x115: {  	v12 =	vperm.xlane v10, v6;
	_ =	sdelay $0x1  }
0x116: {  	v10 =	vadd.f32 v12, v10;
	_ =	sdelay $0x1  }
0x117: {  	v12 =	vperm.xlane v10, v7;
	_ =	sdelay $0x1  }
0x118: {  	s18 =	simm.s32 $0x10000;
	v12 =	vadd.f32 v12, v10  }
0x119: {  	p0 =	sne.s32 s17, $0x1;
	v10 =	vld [tilespmem:s18+$0x0]  }
.Ltmp19:
0x11a: {  	v12 =	vadd.f32 $-1.000000000e+00, v12;
	(pc) =	sbr.rel @!p0 .LBB2_28-.Ltmp19, $3  }
0x11b: {  	_ = 	snop  }
0x11c: {  	v11 =	vmul.f32 v11, v12;
	_ =	sdelay $0x1  }
0x11d: {  	s17 =	sadd.s32 $0xFFFFFFFF, s17;
	s18 =	simm.s32 $0x10010;
	v12 =	vimm.f32 $0.0e+00;
	vm0 =	vgt.f32 v10, v11  }
.LBB2_27:
0x11e: {  	p0 =	sne.s32 s17, $0x1;
	s17 =	sadd.s32 $0xFFFFFFFF, s17;
	v13 =	vsel vm0, $0x3F800000, v5;
	v14 =	vnsel vm0, $0x0, v10;
	v10 =	vld [tilespmem:s18+$0x0]  }
.Ltmp20:
0x11f: {  	v9 =	vadd.f32 v13, v9;
	v12 =	vadd.f32 v14, v12;
	(pc) =	sbr.rel @p0 .LBB2_27-.Ltmp20, $2  }
0x120: {  	_ =	sdelay $0x2  }
0x121: {  	s18 =	sadd.s32 $0x10, s18;
	vm0 =	vgt.f32 v10, v11  }
.LBB2_28:
.Ltmp21:
0x122: {  	(pc) =	sbr.rel .LBB2_29-.Ltmp21, $3  }
0x123: {  	_ =	sdelay $0x1  }
0x124: {  	v11 =	vsel vm0, $0x3F800000, v5;
	v10 =	vnsel vm0, $0x0, v10  }
0x125: {  	v9 =	vadd.f32 v11, v9;
	v10 =	vadd.f32 v10, v12  }
.LBB2_25:
0x126: {  	v10 =	vimm.f32 $0.0e+00  }
.LBB2_29:
0x127: {  	_ = 	snop  }
0x128: {  	v11 =	vperm.xlane v9, v0;
	_ =	sdelay $0x1  }
0x129: {  	v9 =	vadd.f32 v11, v9;
	_ =	sdelay $0x1  }
0x12a: {  	v11 =	vperm.xlane v9, v8;
	_ =	sdelay $0x1  }
0x12b: {  	v9 =	vadd.f32 v11, v9;
	_ =	sdelay $0x1  }
0x12c: {  	v11 =	vperm.xlane v10, v0;
	v12 =	vperm.xlane v9, v6;
	_ =	sdelay $0x1  }
0x12d: {  	v10 =	vadd.f32 v11, v10;
	v9 =	vadd.f32 v12, v9;
	_ =	sdelay $0x1  }
0x12e: {  	v11 =	vperm.xlane v10, v8;
	v12 =	vperm.xlane v9, v7;
	_ =	sdelay $0x1  }
0x12f: {  	v10 =	vadd.f32 v11, v10;
	v9 =	vadd.f32 v12, v9;
	_ =	sdelay $0x1  }
0x130: {  	v11 =	vperm.xlane v10, v6;
	(erf) = vrcp.f32 v9;
	_ =	sdelay $0x1  }
0x131: {  	v9 =	vadd.f32 v11, v10;
	_ =	sdelay $0x1  }
0x132: {  	v10 =	vperm.xlane v9, v7;
	_ =	sdelay $0x1  }
0x133: {  	s17 =	simm.s32 $0x80;
	v9 =	vadd.f32 v10, v9  }
0x134: {  	v10 =	vld [tilespmem:s17+$0x70]  }
0x135: {  	v11 =	vld [tilespmem:s17+$0xFFFFFF90];
	v9 =	vadd.f32 $-1.000000000e+00, v9  }
0x136: {  	v13 =	vld [tilespmem:s17+$0xFFFFFFA0];
	v12 =	vpop (erf)  }
0x137: {  	v9 =	vmul.f32 v12, v9;
	v12 =	vld [tilespmem:s17+$0xFFFFFFB0]  }
0x138: {  	v14 =	vld [tilespmem:s17+$0xFFFFFFC0]  }
0x139: {  	v15 =	vld [tilespmem:s17+$0xFFFFFFD0];
	v10 =	vsub.f32 v10, v9  }
0x13a: {  	v16 =	vld [tilespmem:s17+$0xFFFFFFE0];
	v11 =	vsub.f32 v11, v9  }
0x13b: {  	v17 =	vld [tilespmem:s17+$0xFFFFFFF0];
	v13 =	vsub.f32 v13, v9;
	v10 =	vmax.f32 v10, $0.0e+00  }
0x13c: {  	v18 =	vld [tilespmem:s17+$0x0];
	v11 =	vmax.f32 v11, $0.0e+00;
	v12 =	vsub.f32 v12, v9;
	[tilespmem:s17+$0x70] =	vst v10  }
0x13d: {  	[tilespmem:s17+$0xFFFFFF90] =	vst v11;
	v10 =	vmax.f32 v13, $0.0e+00;
	v11 =	vsub.f32 v14, v9;
	v14 =	vld [tilespmem:s17+$0x10]  }
0x13e: {  	v19 =	vld [tilespmem:s17+$0x20];
	[tilespmem:s17+$0xFFFFFFA0] =	vst v10;
	v10 =	vmax.f32 v12, $0.0e+00;
	v12 =	vsub.f32 v15, v9  }
0x13f: {  	v13 =	vsub.f32 v16, v9;
	v11 =	vmax.f32 v11, $0.0e+00;
	[tilespmem:s17+$0xFFFFFFB0] =	vst v10;
	v10 =	vld [tilespmem:s17+$0x30]  }
0x140: {  	v15 =	vsub.f32 v17, v9;
	[tilespmem:s17+$0xFFFFFFC0] =	vst v11;
	v11 =	vld [tilespmem:s17+$0x40];
	v12 =	vmax.f32 v12, $0.0e+00  }
0x141: {  	v16 =	vsub.f32 v18, v9;
	v13 =	vmax.f32 v13, $0.0e+00;
	[tilespmem:s17+$0xFFFFFFD0] =	vst v12;
	v12 =	vld [tilespmem:s17+$0x50]  }
0x142: {  	[tilespmem:s17+$0xFFFFFFE0] =	vst v13;
	v13 =	vld [tilespmem:s17+$0x60];
	v17 =	vmax.f32 v15, $0.0e+00;
	v15 =	vsub.f32 v14, v9  }
0x143: {  	s18 =	simm.s32 $0x0;
	s19 =	simm.s32 $0x180;
	v14 =	vld [tilespmem:s17+$0xFFFFFF80];
	[tilespmem:s17+$0xFFFFFFF0] =	vst v17;
	v17 =	vmax.f32 v16, $0.0e+00;
	v16 =	vsub.f32 v19, v9  }
.LBB2_30:
0x144: {  	v18 =	vld [tilespmem:s19+$0x70];
	s18 =	sadd.s32 $0x10, s18;
	[tilespmem:s17+$0x0] =	vst v17;
	v15 =	vmax.f32 v15, $0.0e+00;
	v10 =	vsub.f32 v10, v9  }
0x145: {  	v17 =	vld [tilespmem:s19+$0xFFFFFF90];
	p0 =	slt.u32 s18, $0x7F0;
	[tilespmem:s17+$0x10] =	vst v15;
	v15 =	vmax.f32 v16, $0.0e+00;
	v11 =	vsub.f32 v11, v9  }
0x146: {  	v16 =	vld [tilespmem:s19+$0xFFFFFFA0];
	[tilespmem:s17+$0x20] =	vst v15;
	v10 =	vmax.f32 v10, $0.0e+00;
	v12 =	vsub.f32 v12, v9  }
0x147: {  	v15 =	vld [tilespmem:s19+$0xFFFFFFB0];
	[tilespmem:s17+$0x30] =	vst v10;
	v10 =	vmax.f32 v11, $0.0e+00;
	v11 =	vsub.f32 v13, v9  }
0x148: {  	v13 =	vld [tilespmem:s19+$0xFFFFFFC0];
	v14 =	vsub.f32 v14, v9;
	[tilespmem:s17+$0x40] =	vst v10;
	v10 =	vmax.f32 v12, $0.0e+00  }
0x149: {  	v12 =	vld [tilespmem:s19+$0xFFFFFFD0];
	v18 =	vsub.f32 v18, v9;
	[tilespmem:s17+$0x50] =	vst v10;
	v10 =	vmax.f32 v11, $0.0e+00  }
0x14a: {  	v11 =	vsub.f32 v17, v9;
	v17 =	vld [tilespmem:s19+$0xFFFFFFE0];
	v14 =	vmax.f32 v14, $0.0e+00;
	[tilespmem:s17+$0x60] =	vst v10  }
0x14b: {  	v10 =	vsub.f32 v16, v9;
	v16 =	vld [tilespmem:s19+$0xFFFFFFF0];
	v18 =	vmax.f32 v18, $0.0e+00;
	[tilespmem:s17+$0xFFFFFF80] =	vst v14;
	s17 =	smov.u32 s19  }
0x14c: {  	v11 =	vmax.f32 v11, $0.0e+00;
	v14 =	vsub.f32 v15, v9;
	v15 =	vld [tilespmem:s19+$0x0];
	[tilespmem:s19+$0x70] =	vst v18  }
0x14d: {  	[tilespmem:s19+$0xFFFFFF90] =	vst v11;
	v10 =	vmax.f32 v10, $0.0e+00;
	v11 =	vsub.f32 v13, v9;
	v13 =	vld [tilespmem:s19+$0x10]  }
0x14e: {  	[tilespmem:s19+$0xFFFFFFA0] =	vst v10;
	v10 =	vmax.f32 v14, $0.0e+00;
	v12 =	vsub.f32 v12, v9;
	v18 =	vld [tilespmem:s19+$0x20]  }
.Ltmp22:
0x14f: {  	[tilespmem:s19+$0xFFFFFFB0] =	vst v10;
	v11 =	vmax.f32 v11, $0.0e+00;
	v14 =	vsub.f32 v17, v9;
	v10 =	vld [tilespmem:s19+$0x30];
	(pc) =	sbr.rel @p0 .LBB2_30-.Ltmp22, $4  }
0x150: {  	[tilespmem:s19+$0xFFFFFFC0] =	vst v11;
	v12 =	vmax.f32 v12, $0.0e+00;
	v16 =	vsub.f32 v16, v9;
	v11 =	vld [tilespmem:s19+$0x40]  }
0x151: {  	[tilespmem:s19+$0xFFFFFFD0] =	vst v12;
	v14 =	vmax.f32 v14, $0.0e+00;
	v17 =	vsub.f32 v15, v9;
	v12 =	vld [tilespmem:s19+$0x50]  }
0x152: {  	[tilespmem:s19+$0xFFFFFFE0] =	vst v14;
	v16 =	vmax.f32 v16, $0.0e+00;
	v15 =	vsub.f32 v13, v9;
	v13 =	vld [tilespmem:s19+$0x60]  }
0x153: {  	s19 =	sadd.s32 $0x100, s19;
	v14 =	vld [tilespmem:s17+$0xFFFFFF80];
	[tilespmem:s17+$0xFFFFFFF0] =	vst v16;
	v17 =	vmax.f32 v17, $0.0e+00;
	v16 =	vsub.f32 v18, v9  }
0x154: {  	[tilespmem:s17+$0x0] =	vst v17;
	v15 =	vmax.f32 v15, $0.0e+00;
	v10 =	vsub.f32 v10, v9  }
0x155: {  	[tilespmem:s17+$0x10] =	vst v15;
	v15 =	vmax.f32 v16, $0.0e+00;
	v11 =	vsub.f32 v11, v9  }
0x156: {  	[tilespmem:s17+$0x20] =	vst v15;
	v10 =	vmax.f32 v10, $0.0e+00;
	v12 =	vsub.f32 v12, v9  }
0x157: {  	[tilespmem:s17+$0x30] =	vst v10;
	v10 =	vmax.f32 v11, $0.0e+00;
	v11 =	vsub.f32 v13, v9  }
0x158: {  	v9 =	vsub.f32 v14, v9;
	[tilespmem:s17+$0x40] =	vst v10;
	v10 =	vmax.f32 v12, $0.0e+00  }
0x159: {  	[tilespmem:s17+$0x50] =	vst v10;
	v10 =	vmax.f32 v11, $0.0e+00  }
0x15a: {  	v9 =	vmax.f32 v9, $0.0e+00;
	[tilespmem:s17+$0x60] =	vst v10  }
0x15b: {  	[tilespmem:s17+$0xFFFFFF80] =	vst v9  }
0x15c: {  	[hbm4b:s5+s12] =	stream.strided.scatter [tilespmem:s2], [sflag:$0x3], $0x8000, s8, s12, $0x38;
	[tilespmem:$0x18000] =	vst v63  }
0x15d: {  	_ =	swait.ge [sflag:s13], $0x8000  }
0x15e: {  	[sflag:s13] =	ssyncset.done $0x0  }
0x15f: {  	s18 =	simm.s32 $0x8080;
	[sflag:s13] =	ssyncadd.s32 $0xFFFF8000  }
0x160: {  	v11 =	vld [tilespmem:s18+$0x40]  }
0x161: {  	v9 =	vld [tilespmem:s18+$0x50]  }
0x162: {  	v10 =	vld [tilespmem:s18+$0x60]  }
0x163: {  	v17 =	vld [tilespmem:s18+$0x0]  }
0x164: {  	v12 =	vld [tilespmem:s18+$0x10]  }
0x165: {  	v13 =	vld [tilespmem:s18+$0x20]  }
0x166: {  	v18 =	vld [tilespmem:s18+$0xFFFFFFC0]  }
0x167: {  	v14 =	vld [tilespmem:s18+$0xFFFFFFD0]  }
0x168: {  	v19 =	vld [tilespmem:s18+$0xFFFFFF80]  }
0x169: {  	v16 =	vld [tilespmem:s18+$0xFFFFFFE0]  }
0x16a: {  	v21 =	vld [tilespmem:s18+$0xFFFFFF90]  }
0x16b: {  	v22 =	vld [tilespmem:s18+$0xFFFFFFA0]  }
0x16c: {  	v15 =	vimm.f32 $-Inf;
	v24 =	vld [tilespmem:s18+$0xFFFFFFB0]  }
0x16d: {  	v23 =	vld [tilespmem:s18+$0xFFFFFFF0];
	v19 =	vmax.f32 v15, v19  }
0x16e: {  	v20 =	vld [tilespmem:s18+$0x30];
	v18 =	vmax.f32 v19, v18  }
0x16f: {  	s17 =	simm.s32 $0x0;
	v19 =	vld [tilespmem:s18+$0x70];
	s18 =	simm.s32 $0x8180;
	v25 =	vmax.f32 v18, v17;
	v17 =	vimm.f32 $-Inf;
	v18 =	vimm.f32 $-Inf  }
.LBB2_32:
0x170: {  	v25 =	vmax.f32 v25, v11;
	v11 =	vld [tilespmem:s18+$0x40]  }
0x171: {  	v15 =	vmax.f32 v15, v21;
	v17 =	vmax.f32 v17, v22;
	v26 =	vld [tilespmem:s18+$0x50];
	v18 =	vmax.f32 v18, v24  }
0x172: {  	v14 =	vmax.f32 v15, v14;
	v15 =	vmax.f32 v17, v16;
	v21 =	vld [tilespmem:s18+$0x60];
	v16 =	vmax.f32 v18, v23  }
0x173: {  	v14 =	vmax.f32 v14, v12;
	v13 =	vmax.f32 v15, v13;
	v27 =	vld [tilespmem:s18+$0x0];
	v16 =	vmax.f32 v16, v20  }
0x174: {  	v15 =	vmax.f32 v14, v9;
	v17 =	vmax.f32 v13, v10;
	v12 =	vld [tilespmem:s18+$0x10];
	v18 =	vmax.f32 v16, v19  }
0x175: {  	v13 =	vld [tilespmem:s18+$0x20]  }
0x176: {  	v19 =	vld [tilespmem:s18+$0xFFFFFFC0];
	v9 =	vmov v26  }
0x177: {  	v14 =	vld [tilespmem:s18+$0xFFFFFFD0];
	v10 =	vmov v21  }
0x178: {  	v20 =	vld [tilespmem:s18+$0xFFFFFF80]  }
0x179: {  	s17 =	sadd.s32 $0x10, s17;
	v16 =	vld [tilespmem:s18+$0xFFFFFFE0]  }
0x17a: {  	p0 =	slt.u32 s17, $0x7F0;
	v21 =	vld [tilespmem:s18+$0xFFFFFF90]  }
.Ltmp23:
0x17b: {  	v22 =	vld [tilespmem:s18+$0xFFFFFFA0];
	(pc) =	sbr.rel @p0 .LBB2_32-.Ltmp23, $4  }
0x17c: {  	v24 =	vld [tilespmem:s18+$0xFFFFFFB0]  }
0x17d: {  	v20 =	vmax.f32 v25, v20;
	v23 =	vld [tilespmem:s18+$0xFFFFFFF0]  }
0x17e: {  	v19 =	vmax.f32 v20, v19;
	v20 =	vld [tilespmem:s18+$0x30]  }
0x17f: {  	v25 =	vmax.f32 v19, v27;
	v19 =	vld [tilespmem:s18+$0x70];
	s18 =	sadd.s32 $0x100, s18  }
0x180: {  	v11 =	vmax.f32 v25, v11  }
0x181: {  	v15 =	vmax.f32 v15, v21;
	v17 =	vmax.f32 v17, v22;
	v18 =	vmax.f32 v18, v24  }
0x182: {  	v14 =	vmax.f32 v15, v14;
	v15 =	vmax.f32 v17, v16;
	v16 =	vmax.f32 v18, v23  }
0x183: {  	v12 =	vmax.f32 v14, v12;
	v13 =	vmax.f32 v15, v13;
	v14 =	vmax.f32 v16, v20  }
0x184: {  	v9 =	vmax.f32 v12, v9;
	v10 =	vmax.f32 v13, v10;
	v12 =	vmax.f32 v14, v19  }
0x185: {  	v9 =	vmax.f32 v11, v9;
	v10 =	vmax.f32 v10, v12  }
0x186: {  	v9 =	vmax.f32 v9, v10  }
0x187: {  	v10 =	vperm.xlane v9, v0;
	_ =	sdelay $0x1  }
0x188: {  	v9 =	vmax.f32 v9, v10  }
0x189: {  	v10 =	vperm.xlane v9, v1;
	_ =	sdelay $0x1  }
0x18a: {  	v9 =	vmax.f32 v9, v10  }
0x18b: {  	v10 =	vperm.xlane v9, v2;
	_ =	sdelay $0x1  }
0x18c: {  	s17 =	simm.s32 $0x8080;
	v9 =	vmax.f32 v9, v10  }
0x18d: {  	v28 =	vld [tilespmem:s17+$0xFFFFFF80];
	v10 =	vperm.xlane v9, v3  }
0x18e: {  	v11 =	vld [tilespmem:s17+$0xFFFFFF90]  }
0x18f: {  	v15 =	vld [tilespmem:s17+$0xFFFFFFC0];
	v10 =	vmax.f32 v9, v10  }
0x190: {  	v12 =	vld [tilespmem:s17+$0xFFFFFFA0];
	v9 =	vadd.f32 $-1.000000000e+00, v10  }
0x191: {  	v13 =	vld [tilespmem:s17+$0xFFFFFFB0];
	v14 =	vimm.s32 $0x0  }
0x192: {  	v16 =	vld [tilespmem:s17+$0xFFFFFFD0];
	v17 =	vshll.u32 v14, $0x4;
	vm0 =	vgt.f32 v28, v9  }
0x193: {  	v40 =	vor.u32 v4, v17;
	vm15 =	vgt.f32 v11, v9;
	v17 =	vsel vm0, $0x1, v5  }
0x194: {  	v19 =	vadd.s32 v17, v14;
	v14 =	vsel vm15, $0x1, v5  }
0x195: {  	v18 =	vld [tilespmem:s17+$0xFFFFFFE0];
	vm1 =	vgt.f32 v12, v9;
	v22 =	vadd.s32 v14, v19;
	v14 =	vimm.s32 $0x0  }
0x196: {  	vm5 =	vgt.f32 v15, v9;
	v14 =	vsel vm1, $0xFFFFFFFF, v14  }
0x197: {  	v21 =	vld [tilespmem:s17+$0xFFFFFFF0];
	vm6 =	vgt.f32 v16, v9;
	[tilespmem:$0x1FFA0] =	vst v14;
	v14 =	vsel vm1, $0x1, v5;
	vm1 =	vgt.f32 v13, v9  }
0x198: {  	v25 =	vadd.s32 v14, v22;
	v14 =	vimm.s32 $0x0;
	v17 =	vsel vm1, $0x1, v5  }
0x199: {  	v20 =	vsel vm5, $0x1, v5;
	v14 =	vsel vm1, $0xFFFFFFFF, v14;
	v27 =	vadd.s32 v17, v25  }
0x19a: {  	vm8 =	vgt.f32 v18, v9;
	v23 =	vsel vm6, $0x1, v5;
	v24 =	vld [tilespmem:s17+$0x0];
	[tilespmem:$0x1FFB0] =	vst v14;
	v29 =	vadd.s32 v20, v27  }
0x19b: {  	v26 =	vsel vm8, $0x1, v5;
	v14 =	vld [tilespmem:s17+$0x10];
	v31 =	vadd.s32 v23, v29  }
0x19c: {  	vm1 =	vgt.f32 v21, v9;
	v17 =	vld [tilespmem:s17+$0x20];
	v33 =	vadd.s32 v26, v31;
	v26 =	vimm.s32 $0x0  }
0x19d: {  	v20 =	vld [tilespmem:s17+$0x30];
	v26 =	vsel vm1, $0xFFFFFFFF, v26  }
0x19e: {  	v23 =	vld [tilespmem:s17+$0x40];
	[tilespmem:$0x1FFC0] =	vst v26  }
0x19f: {  	v30 =	vsel vm1, $0x1, v5;
	vm4 =	vgt.f32 v24, v9;
	v26 =	vld [tilespmem:s17+$0x50]  }
0x1a0: {  	v34 =	vadd.s32 v30, v33;
	v32 =	vsel vm4, $0x1, v5;
	v30 =	vld [tilespmem:s17+$0x60];
	vm7 =	vgt.f32 v14, v9  }
0x1a1: {  	v35 =	vadd.s32 v32, v34;
	v32 =	vld [tilespmem:s17+$0x70];
	vm9 =	vgt.f32 v17, v9;
	v36 =	vsel vm7, $0x1, v5  }
0x1a2: {  	vm10 =	vgt.f32 v20, v9;
	v37 =	vsel vm9, $0x1, v5;
	v36 =	vadd.s32 v36, v35  }
0x1a3: {  	vm11 =	vgt.f32 v23, v9;
	v38 =	vsel vm10, $0x1, v5;
	v37 =	vadd.s32 v37, v36  }
0x1a4: {  	v39 =	vsel vm11, $0x1, v5;
	v38 =	vadd.s32 v38, v37;
	vm12 =	vgt.f32 v26, v9  }
0x1a5: {  	vm13 =	vgt.f32 v30, v9;
	v41 =	vadd.s32 v39, v38;
	v62 =	vsel vm12, $0x1, v5  }
0x1a6: {  	vm14 =	vgt.f32 v32, v9;
	v43 =	vsel vm13, $0x1, v5;
	v42 =	vadd.s32 v62, v41  }
0x1a7: {  	v63 =	vsel vm14, $0x1, v5;
	v39 =	vshll.u32 v42, $0x4;
	v42 =	vadd.s32 v43, v42  }
0x1a8: {  	s18 =	simm.s32 $0x0;
	[tilespmem:v40+s11+$0x0] =	vst.idx.msk vm0, v28;
	v40 =	vshll.u32 v41, $0x4;
	v41 =	vshll.u32 v42, $0x4;
	v28 =	vadd.s32 v63, v42  }
.LBB2_34:
0x1a9: {  	v36 =	vshll.u32 v36, $0x4;
	v37 =	vshll.u32 v37, $0x4  }
0x1aa: {  	v38 =	vshll.u32 v38, $0x4;
	v33 =	vshll.u32 v33, $0x4;
	v34 =	vshll.u32 v34, $0x4;
	s17 =	sadd.s32 $0x100, s17  }
0x1ab: {  	v35 =	vshll.u32 v35, $0x4;
	v19 =	vshll.u32 v19, $0x4;
	v41 =	vor.u32 v4, v41;
	v43 =	vld [tilespmem:s17+$0xFFFFFF80]  }
0x1ac: {  	v27 =	vshll.u32 v27, $0x4;
	v39 =	vor.u32 v4, v39;
	v52 =	vor.u32 v4, v19;
	v19 =	vld [tilespmem:$0x1FFA0]  }
0x1ad: {  	v29 =	vshll.u32 v29, $0x4;
	v31 =	vshll.u32 v31, $0x4;
	v34 =	vor.u32 v4, v34;
	v44 =	vld [tilespmem:s17+$0xFFFFFF90]  }
0x1ae: {  	v22 =	vshll.u32 v22, $0x4;
	v25 =	vshll.u32 v25, $0x4;
	v40 =	vor.u32 v4, v40;
	v53 =	vld [tilespmem:s17+$0xFFFFFFD0]  }
0x1af: {  	v37 =	vor.u32 v4, v37;
	v38 =	vor.u32 v4, v38;
	v35 =	vor.u32 v4, v35;
	v61 =	vld [tilespmem:s17+$0xFFFFFFE0]  }
0x1b0: {  	vm2 =	vmmov vm8;
	v36 =	vor.u32 v4, v36;
	v45 =	vor.u32 v4, v29;
	v55 =	vld [tilespmem:s17+$0x0];
	[tilespmem:v41+s11+$0x0] =	vst.idx.msk vm14, v32  }
0x1b1: {  	v46 =	vor.u32 v4, v31;
	v31 =	vor.u32 v4, v33;
	[tilespmem:v39+s11+$0x0] =	vst.idx.msk vm13, v30;
	vm0 =	vnez.u8 v19;
	v19 =	vld [tilespmem:$0x1FFB0]  }
0x1b2: {  	v42 =	vshll.u32 v28, $0x4;
	v48 =	vor.u32 v4, v22;
	v49 =	vor.u32 v4, v25;
	[tilespmem:v34+s11+$0x0] =	vst.idx.msk vm4, v24;
	v24 =	vld [tilespmem:$0x1FFC0]  }
0x1b3: {  	v47 =	vld [tilespmem:s17+$0xFFFFFFA0];
	v50 =	vor.u32 v4, v27;
	v42 =	vor.u32 v4, v42;
	[tilespmem:v40+s11+$0x0] =	vst.idx.msk vm12, v26  }
0x1b4: {  	vm14 =	vmmov vm15;
	vm12 =	vmmov vm6;
	vm13 =	vgt.f32 v43, v9;
	[tilespmem:v37+s11+$0x0] =	vst.idx.msk vm10, v20  }
0x1b5: {  	v51 =	vld [tilespmem:s17+$0xFFFFFFB0];
	vm15 =	vgt.f32 v44, v9;
	v20 =	vimm.s32 $0x0;
	[tilespmem:v36+s11+$0x0] =	vst.idx.msk vm9, v17;
	v17 =	vimm.s32 $0x0  }
0x1b6: {  	vm6 =	vgt.f32 v53, v9;
	vm8 =	vgt.f32 v61, v9;
	[tilespmem:v46+s11+$0x0] =	vst.idx.msk vm2, v18;
	v18 =	vimm.s32 $0x0;
	v26 =	vld [tilespmem:s17+$0x50]  }
0x1b7: {  	v60 =	vld [tilespmem:s17+$0xFFFFFFC0];
	vm3 =	vmmov vm0;
	vm1 =	vnez.u8 v19;
	vm4 =	vnez.u8 v24  }
0x1b8: {  	[tilespmem:v38+s11+$0x0] =	vst.idx.msk vm11, v23;
	v32 =	vld [tilespmem:s17+$0x70];
	vm0 =	vmmov vm1;
	vm1 =	vmmov vm5;
	vm5 =	vgt.f32 v47, v9  }
0x1b9: {  	v54 =	vld [tilespmem:s17+$0xFFFFFFF0];
	[tilespmem:v35+s11+$0x0] =	vst.idx.msk vm7, v14;
	v22 =	vsel vm15, $0x1, v5;
	v19 =	vsel vm13, $0x1, v5;
	v20 =	vsel vm5, $0xFFFFFFFF, v20  }
0x1ba: {  	v19 =	vadd.s32 v19, v28;
	[tilespmem:$0x1FFA0] =	vst v20;
	v20 =	vsel vm5, $0x1, v5;
	vm5 =	vgt.f32 v51, v9  }
0x1bb: {  	[tilespmem:v45+s11+$0x0] =	vst.idx.msk vm12, v16;
	vm12 =	vgt.f32 v26, v9;
	v22 =	vadd.s32 v22, v19;
	v17 =	vsel vm5, $0xFFFFFFFF, v17  }
0x1bc: {  	v14 =	vld [tilespmem:s17+$0x10];
	v25 =	vadd.s32 v20, v22;
	[tilespmem:$0x1FFB0] =	vst v17;
	v17 =	vsel vm5, $0x1, v5;
	vm5 =	vgt.f32 v60, v9  }
0x1bd: {  	[tilespmem:v52+s11+$0x0] =	vst.idx.msk vm14, v11;
	vm14 =	vgt.f32 v32, v9;
	v27 =	vadd.s32 v17, v25;
	v20 =	vsel vm5, $0x1, v5;
	v17 =	vld [tilespmem:s17+$0x20]  }
0x1be: {  	v23 =	vsel vm6, $0x1, v5;
	[tilespmem:v31+s11+$0x0] =	vst.idx.msk vm4, v21;
	vm4 =	vgt.f32 v54, v9;
	v29 =	vadd.s32 v20, v27;
	v20 =	vld [tilespmem:s17+$0x30]  }
0x1bf: {  	v21 =	vsel vm8, $0x1, v5;
	v18 =	vsel vm4, $0xFFFFFFFF, v18;
	v31 =	vadd.s32 v23, v29;
	v23 =	vld [tilespmem:s17+$0x40]  }
0x1c0: {  	[tilespmem:$0x1FFC0] =	vst v18;
	v18 =	vsel vm4, $0x1, v5;
	vm4 =	vgt.f32 v55, v9;
	v33 =	vadd.s32 v21, v31  }
0x1c1: {  	v30 =	vld [tilespmem:s17+$0x60];
	vm7 =	vgt.f32 v14, v9;
	v16 =	vsel vm4, $0x1, v5;
	v34 =	vadd.s32 v18, v33  }
0x1c2: {  	[tilespmem:v50+s11+$0x0] =	vst.idx.msk vm1, v15;
	v15 =	vsel vm7, $0x1, v5;
	v35 =	vadd.s32 v16, v34;
	vm9 =	vgt.f32 v17, v9  }
0x1c3: {  	s18 =	sadd.s32 $0x10, s18;
	[tilespmem:v49+s11+$0x0] =	vst.idx.msk vm0, v13;
	v36 =	vadd.s32 v15, v35;
	v13 =	vsel vm9, $0x1, v5;
	vm10 =	vgt.f32 v20, v9  }
0x1c4: {  	p0 =	slt.u32 s18, $0x7F0;
	v37 =	vadd.s32 v13, v36;
	v15 =	vsel vm10, $0x1, v5;
	vm11 =	vgt.f32 v23, v9  }
.Ltmp24:
0x1c5: {  	v11 =	vmovc v44;
	v24 =	vsel vm12, $0x1, v5;
	v38 =	vadd.s32 v15, v37;
	v16 =	vsel vm11, $0x1, v5;
	(pc) =	sbr.rel @p0 .LBB2_34-.Ltmp24, $4  }
0x1c6: {  	[tilespmem:v42+s11+$0x0] =	vst.idx.msk vm13, v43;
	vm13 =	vgt.f32 v30, v9;
	v28 =	vsel vm14, $0x1, v5;
	v21 =	vadd.s32 v16, v38  }
0x1c7: {  	[tilespmem:v48+s11+$0x0] =	vst.idx.msk vm3, v12;
	v12 =	vmovc v47;
	v63 =	vsel vm13, $0x1, v5;
	v18 =	vmov v61;
	v62 =	vadd.s32 v24, v21  }
0x1c8: {  	v13 =	vmovc v51;
	v15 =	vmovc v60;
	v40 =	vshll.u32 v21, $0x4;
	v24 =	vmov v55;
	v42 =	vadd.s32 v63, v62  }
0x1c9: {  	v39 =	vshll.u32 v62, $0x4;
	v16 =	vmovc v53;
	v41 =	vshll.u32 v42, $0x4;
	v28 =	vadd.s32 v28, v42;
	v21 =	vmovc v54  }
0x1ca: {  	v42 =	vperm.xlane v28, v0;
	_ =	sdelay $0x1  }
0x1cb: {  	vm0 =	vgt.s32 v28, v42  }
0x1cc: {  	v42 =	vsel vm0, v28, v42  }
0x1cd: {  	v43 =	vperm.xlane v42, v1;
	_ =	sdelay $0x1  }
0x1ce: {  	vm0 =	vgt.s32 v42, v43  }
0x1cf: {  	v42 =	vsel vm0, v42, v43  }
0x1d0: {  	v43 =	vperm.xlane v42, v2;
	_ =	sdelay $0x1  }
0x1d1: {  	vm0 =	vgt.s32 v42, v43  }
0x1d2: {  	v42 =	vsel vm0, v42, v43  }
0x1d3: {  	v41 =	vor.u32 v4, v41;
	v43 =	vperm.xlane v42, v3  }
0x1d4: {  	v39 =	vor.u32 v4, v39  }
0x1d5: {  	v38 =	vshll.u32 v38, $0x4;
	v40 =	vor.u32 v4, v40;
	vm0 =	vgt.s32 v42, v43  }
0x1d6: {  	v37 =	vshll.u32 v37, $0x4;
	v38 =	vor.u32 v4, v38;
	v42 =	vsel vm0, v42, v43  }
0x1d7: {  	v36 =	vshll.u32 v36, $0x4;
	v37 =	vor.u32 v4, v37;
	(v2sf) =	vpush v42, $0x0  }
0x1d8: {  	v35 =	vshll.u32 v35, $0x4;
	v36 =	vor.u32 v4, v36;
	[tilespmem:v41+s11+$0x0] =	vst.idx.msk vm14, v32  }
0x1d9: {  	v55 =	vor.u32 v4, v35;
	[tilespmem:v39+s11+$0x0] =	vst.idx.msk vm13, v30  }
0x1da: {  	v54 =	vshll.u32 v34, $0x4;
	[tilespmem:v40+s11+$0x0] =	vst.idx.msk vm12, v26  }
0x1db: {  	v32 =	vor.u32 v4, v54;
	[tilespmem:v38+s11+$0x0] =	vst.idx.msk vm11, v23  }
0x1dc: {  	[tilespmem:v37+s11+$0x0] =	vst.idx.msk vm10, v20  }
0x1dd: {  	[tilespmem:v36+s11+$0x0] =	vst.idx.msk vm9, v17  }
0x1de: {  	v60 =	vld [tilespmem:$0x1FFB0];
	[tilespmem:v55+s11+$0x0] =	vst.idx.msk vm7, v14  }
0x1df: {  	v62 =	vld [tilespmem:$0x1FFA0]  }
0x1e0: {  	v56 =	vshll.u32 v31, $0x4;
	v57 =	vshll.u32 v29, $0x4;
	vm1 =	vmmov vm6;
	[tilespmem:v32+s11+$0x0] =	vst.idx.msk vm4, v24  }
0x1e1: {  	v58 =	vshll.u32 v27, $0x4;
	vm2 =	vmmov vm5;
	v26 =	vor.u32 v4, v56;
	v63 =	vld [tilespmem:$0x1FFC0]  }
0x1e2: {  	v59 =	vshll.u32 v25, $0x4;
	v61 =	vshll.u32 v22, $0x4;
	v23 =	vor.u32 v4, v57  }
0x1e3: {  	v19 =	vshll.u32 v19, $0x4;
	v20 =	vor.u32 v4, v58;
	vm3 =	vnez.u8 v60  }
0x1e4: {  	v19 =	vor.u32 v4, v19;
	vm3 =	vmmov vm3;
	vm12 =	vnez.u8 v62  }
0x1e5: {  	vm14 =	vmmov vm8;
	v17 =	vor.u32 v4, v59;
	vm5 =	vmmov vm12  }
0x1e6: {  	v30 =	vshll.u32 v33, $0x4;
	v14 =	vor.u32 v4, v61;
	[tilespmem:v26+s11+$0x0] =	vst.idx.msk vm8, v18;
	vm14 =	vnez.u8 v63;
	s17 =	spop (v2sf)  }
0x1e7: {  	v30 =	vor.u32 v4, v30;
	[tilespmem:v23+s11+$0x0] =	vst.idx.msk vm1, v16;
	p1 =	sgt.s32 s17, $0x0  }
.Ltmp25:
0x1e8: {  	[tilespmem:v20+s11+$0x0] =	vst.idx.msk vm2, v15;
	(pc) =	sbr.rel @!p1 .LBB2_36-.Ltmp25, $4  }
0x1e9: {  	[tilespmem:v19+s11+$0x0] =	vst.idx.msk vm15, v11  }
0x1ea: {  	[tilespmem:v17+s11+$0x0] =	vst.idx.msk vm3, v13  }
0x1eb: {  	[tilespmem:v14+s11+$0x0] =	vst.idx.msk vm5, v12  }
0x1ec: {  	vm13 =	vmmov vm15;
	[tilespmem:v30+s11+$0x0] =	vst.idx.msk vm14, v21  }
0x1ed: {  	s18 =	simm.s32 $0x10000  }
0x1ee: {  	p0 =	seq.s32 s17, $0x1;
	v12 =	vld [tilespmem:s18+$0x0]  }
.Ltmp26:
0x1ef: {  	_ = 	snop;
	(pc) =	sbr.rel @p0 .LBB2_50-.Ltmp26, $4  }
0x1f0: {  	_ = 	snop  }
0x1f1: {  	v11 =	vadd.f32 $-1.000000000e+00, v9;
	s19 =	simm.s32 $0x0  }
0x1f2: {  	vm0 =	vgt.s32 v28, s19  }
0x1f3: {  	s19 =	simm.s32 $0x1;
	v12 =	vsel vm0, v12, v11  }
.LBB2_49:
0x1f4: {  	[tilespmem:s18+$0x0] =	vst v12;
	s18 =	sadd.s32 $0x10, s18;
	s20 =	smov.u32 s19;
	s19 =	sadd.s32 $0x1, s19  }
0x1f5: {  	v12 =	vld [tilespmem:s18+$0x0];
	p0 =	seq.s32 s17, s19  }
.Ltmp27:
0x1f6: {  	(pc) =	sbr.rel @!p0 .LBB2_49-.Ltmp27, $3  }
0x1f7: {  	_ =	sdelay $0x1  }
0x1f8: {  	vm0 =	vgt.s32 v28, s20  }
0x1f9: {  	v12 =	vsel vm0, v12, v11  }
.LBB2_50:
0x1fa: {  	[tilespmem:s18+$0x0] =	vst v12  }
.LBB2_36:
.Ltmp28:
0x1fb: {  	(pc) =	sbr.rel .LBB2_37-.Ltmp28, $2  }
0x1fc: {  	_ =	sdelay $0x2  }
0x1fd: {  	s18 =	simm.s32 $0x0;
	p0 =	slt.s32 s17, $0x1  }
.LBB2_40:
0x1fe: {  	v13 =	vmax.f32 v13, $0.0e+00  }
0x1ff: {  	v12 =	vadd.f32 v13, v12  }
.LBB2_41:
0x200: {  	_ = 	snop  }
0x201: {  	v13 =	vperm.xlane v12, v0;
	_ =	sdelay $0x1  }
0x202: {  	v12 =	vadd.f32 v13, v12;
	_ =	sdelay $0x1  }
0x203: {  	v13 =	vperm.xlane v12, v1;
	_ =	sdelay $0x1  }
0x204: {  	v12 =	vadd.f32 v13, v12;
	_ =	sdelay $0x1  }
0x205: {  	v13 =	vperm.xlane v12, v2;
	_ =	sdelay $0x1  }
0x206: {  	v12 =	vadd.f32 v13, v12  }
0x207: {  	s18 =	sadd.s32 $0x1, s18  }
0x208: {  	p2 =	seq.s32 s18, $0xE;
	v13 =	vperm.xlane v12, v3  }
.Ltmp29:
0x209: {  	_ = 	snop;
	(pc) =	sbr.rel @p2 .LBB2_42-.Ltmp29, $3  }
0x20a: {  	v12 =	vadd.f32 v13, v12;
	_ =	sdelay $0x1  }
0x20b: {  	vm0 =	vge.f32 v12, $1.000000000e+00  }
0x20c: {  	v9 =	vsel vm0, v11, v9;
	v10 =	vsel vm0, v10, v11  }
.LBB2_37:
.Ltmp30:
0x20d: {  	(pc) =	sbr.rel @p0 .LBB2_41-.Ltmp30, $3  }
0x20e: {  	_ = 	snop  }
0x20f: {  	v11 =	vadd.f32 v10, v9;
	_ =	sdelay $0x1  }
0x210: {  	v12 =	vimm.f32 $0.0e+00;
	s20 =	simm.s32 $0x10000;
	v11 =	vmul.f32 $5.000000000e-01, v11  }
0x211: {  	v13 =	vld [tilespmem:s20+$0x0]  }
0x212: {  	p2 =	sne.s32 s17, $0x1  }
.Ltmp31:
0x213: {  	_ = 	snop;
	(pc) =	sbr.rel @!p2 .LBB2_40-.Ltmp31, $3  }
0x214: {  	_ =	sdelay $0x1  }
0x215: {  	v13 =	vsub.f32 v13, v11  }
0x216: {  	s19 =	sadd.s32 $0xFFFFFFFF, s17;
	s20 =	sadd.s32 $0x10, s20  }
.LBB2_39:
0x217: {  	v14 =	vld [tilespmem:s20+$0x0];
	p2 =	sne.s32 s19, $0x1;
	s19 =	sadd.s32 $0xFFFFFFFF, s19  }
.Ltmp32:
0x218: {  	v13 =	vmax.f32 v13, $0.0e+00;
	(pc) =	sbr.rel @p2 .LBB2_39-.Ltmp32, $2  }
0x219: {  	v12 =	vadd.f32 v13, v12;
	_ =	sdelay $0x2  }
0x21a: {  	s20 =	sadd.s32 $0x10, s20;
	v13 =	vsub.f32 v14, v11  }
.Ltmp33:
0x21b: {  	_ = 	snop;
	(pc) =	sbr.rel .LBB2_40-.Ltmp33, $1  }
0x21c: {  	_ =	sdelay $0x3  }
.LBB2_42:
.Ltmp34:
0x21d: {  	(pc) =	sbr.rel @!p1 .LBB2_46-.Ltmp34, $2  }
0x21e: {  	_ =	sdelay $0x2  }
0x21f: {  	v10 =	vimm.f32 $0.0e+00;
	s19 =	simm.s32 $0x10000;
	v12 =	vimm.f32 $0.0e+00;
	v11 =	vimm.f32 $0.0e+00  }
0x220: {  	v11 =	vld [tilespmem:s19+$0x0];
	p1 =	sne.s32 s17, $0x1  }
.Ltmp35:
0x221: {  	_ = 	snop;
	(pc) =	sbr.rel @!p1 .LBB2_45-.Ltmp35, $2  }
0x222: {  	_ =	sdelay $0x2  }
0x223: {  	s18 =	sadd.s32 $0xFFFFFFFF, s17;
	s19 =	sadd.s32 $0x10, s19;
	v12 =	vimm.f32 $0.0e+00;
	v13 =	vimm.f32 $0.0e+00;
	vm0 =	vgt.f32 v11, v9  }
.LBB2_44:
0x224: {  	p1 =	sne.s32 s18, $0x1;
	s18 =	sadd.s32 $0xFFFFFFFF, s18;
	v14 =	vsel vm0, $0x3F800000, v5;
	v15 =	vnsel vm0, $0x0, v11;
	v11 =	vld [tilespmem:s19+$0x0]  }
.Ltmp36:
0x225: {  	v12 =	vadd.f32 v14, v12;
	v13 =	vadd.f32 v15, v13;
	(pc) =	sbr.rel @p1 .LBB2_44-.Ltmp36, $2  }
0x226: {  	_ =	sdelay $0x2  }
0x227: {  	s19 =	sadd.s32 $0x10, s19;
	vm0 =	vgt.f32 v11, v9  }
.LBB2_45:
0x228: {  	v9 =	vsel vm0, $0x3F800000, v5;
	v11 =	vnsel vm0, $0x0, v11  }
0x229: {  	v12 =	vadd.f32 v9, v12;
	v11 =	vadd.f32 v11, v13  }
.LBB2_46:
0x22a: {  	_ = 	snop  }
0x22b: {  	v9 =	vperm.xlane v12, v0;
	_ =	sdelay $0x1  }
0x22c: {  	v9 =	vadd.f32 v9, v12;
	_ =	sdelay $0x1  }
0x22d: {  	v12 =	vperm.xlane v9, v8;
	_ =	sdelay $0x1  }
0x22e: {  	v9 =	vadd.f32 v12, v9;
	_ =	sdelay $0x1  }
0x22f: {  	v12 =	vperm.xlane v9, v6;
	_ =	sdelay $0x1  }
0x230: {  	v9 =	vadd.f32 v12, v9;
	_ =	sdelay $0x1  }
0x231: {  	v12 =	vperm.xlane v9, v7;
	_ =	sdelay $0x1  }
0x232: {  	v9 =	vadd.f32 v12, v9;
	_ =	sdelay $0x1  }
0x233: {  	(erf) = vrcp.f32 v9;
	_ =	sdelay $0x4  }
.Ltmp37:
0x234: {  	_ = 	snop;
	(pc) =	sbr.rel @p0 .LBB2_47-.Ltmp37, $2  }
0x235: {  	_ =	sdelay $0x2  }
0x236: {  	v12 =	vpop (erf)  }
0x237: {  	v9 =	vperm.xlane v11, v0;
	_ =	sdelay $0x1  }
0x238: {  	v9 =	vadd.f32 v9, v11;
	_ =	sdelay $0x1  }
0x239: {  	v11 =	vperm.xlane v9, v8;
	_ =	sdelay $0x1  }
0x23a: {  	v9 =	vadd.f32 v11, v9;
	_ =	sdelay $0x1  }
0x23b: {  	v11 =	vperm.xlane v9, v6;
	_ =	sdelay $0x1  }
0x23c: {  	v9 =	vadd.f32 v11, v9;
	_ =	sdelay $0x1  }
0x23d: {  	v11 =	vperm.xlane v9, v7;
	_ =	sdelay $0x1  }
0x23e: {  	s18 =	simm.s32 $0x10000;
	v11 =	vadd.f32 v11, v9  }
0x23f: {  	p1 =	sne.s32 s17, $0x1;
	v9 =	vld [tilespmem:s18+$0x0]  }
.Ltmp38:
0x240: {  	v11 =	vadd.f32 $-1.000000000e+00, v11;
	(pc) =	sbr.rel @!p1 .LBB2_53-.Ltmp38, $3  }
0x241: {  	_ = 	snop  }
0x242: {  	v11 =	vmul.f32 v12, v11;
	_ =	sdelay $0x1  }
0x243: {  	s19 =	simm.s32 $0x10010;
	s18 =	sadd.s32 $0xFFFFFFFF, s17;
	v12 =	vimm.f32 $0.0e+00;
	vm0 =	vgt.f32 v9, v11  }
.LBB2_52:
0x244: {  	p1 =	sne.s32 s18, $0x1;
	s18 =	sadd.s32 $0xFFFFFFFF, s18;
	v13 =	vsel vm0, $0x3F800000, v5;
	v14 =	vnsel vm0, $0x0, v9;
	v9 =	vld [tilespmem:s19+$0x0]  }
.Ltmp39:
0x245: {  	v10 =	vadd.f32 v13, v10;
	v12 =	vadd.f32 v14, v12;
	(pc) =	sbr.rel @p1 .LBB2_52-.Ltmp39, $2  }
0x246: {  	_ =	sdelay $0x2  }
0x247: {  	s19 =	sadd.s32 $0x10, s19;
	vm0 =	vgt.f32 v9, v11  }
.LBB2_53:
.Ltmp40:
0x248: {  	(pc) =	sbr.rel .LBB2_54-.Ltmp40, $3  }
0x249: {  	_ =	sdelay $0x1  }
0x24a: {  	v11 =	vsel vm0, $0x3F800000, v5;
	v9 =	vnsel vm0, $0x0, v9  }
0x24b: {  	v10 =	vadd.f32 v11, v10;
	v11 =	vadd.f32 v9, v12  }
.LBB2_47:
0x24c: {  	v11 =	vimm.f32 $0.0e+00  }
.LBB2_54:
0x24d: {  	_ = 	snop  }
0x24e: {  	v9 =	vperm.xlane v10, v0;
	_ =	sdelay $0x1  }
0x24f: {  	v9 =	vadd.f32 v9, v10;
	_ =	sdelay $0x1  }
0x250: {  	v10 =	vperm.xlane v9, v8;
	_ =	sdelay $0x1  }
0x251: {  	v9 =	vadd.f32 v10, v9;
	_ =	sdelay $0x1  }
0x252: {  	v10 =	vperm.xlane v9, v6;
	_ =	sdelay $0x1  }
0x253: {  	v9 =	vadd.f32 v10, v9;
	_ =	sdelay $0x1  }
0x254: {  	v10 =	vperm.xlane v9, v7;
	_ =	sdelay $0x1  }
0x255: {  	v9 =	vadd.f32 v10, v9;
	_ =	sdelay $0x1  }
0x256: {  	(erf) = vrcp.f32 v9;
	_ =	sdelay $0x4  }
.Ltmp41:
0x257: {  	_ = 	snop;
	(pc) =	sbr.rel @p0 .LBB2_55-.Ltmp41, $2  }
0x258: {  	_ =	sdelay $0x2  }
0x259: {  	v9 =	vimm.f32 $0.0e+00;
	v12 =	vpop (erf)  }
0x25a: {  	v10 =	vperm.xlane v11, v0;
	_ =	sdelay $0x1  }
0x25b: {  	v10 =	vadd.f32 v10, v11;
	_ =	sdelay $0x1  }
0x25c: {  	v11 =	vperm.xlane v10, v8;
	_ =	sdelay $0x1  }
0x25d: {  	v10 =	vadd.f32 v11, v10;
	_ =	sdelay $0x1  }
0x25e: {  	v11 =	vperm.xlane v10, v6;
	_ =	sdelay $0x1  }
0x25f: {  	v10 =	vadd.f32 v11, v10;
	_ =	sdelay $0x1  }
0x260: {  	v11 =	vperm.xlane v10, v7;
	_ =	sdelay $0x1  }
0x261: {  	s18 =	simm.s32 $0x10000;
	v11 =	vadd.f32 v11, v10  }
0x262: {  	p0 =	sne.s32 s17, $0x1;
	v10 =	vld [tilespmem:s18+$0x0]  }
.Ltmp42:
0x263: {  	v11 =	vadd.f32 $-1.000000000e+00, v11;
	(pc) =	sbr.rel @!p0 .LBB2_58-.Ltmp42, $3  }
0x264: {  	_ = 	snop  }
0x265: {  	v11 =	vmul.f32 v12, v11;
	_ =	sdelay $0x1  }
0x266: {  	s17 =	sadd.s32 $0xFFFFFFFF, s17;
	s18 =	simm.s32 $0x10010;
	v12 =	vimm.f32 $0.0e+00;
	vm0 =	vgt.f32 v10, v11  }
.LBB2_57:
0x267: {  	p0 =	sne.s32 s17, $0x1;
	s17 =	sadd.s32 $0xFFFFFFFF, s17;
	v13 =	vsel vm0, $0x3F800000, v5;
	v14 =	vnsel vm0, $0x0, v10;
	v10 =	vld [tilespmem:s18+$0x0]  }
.Ltmp43:
0x268: {  	v9 =	vadd.f32 v13, v9;
	v12 =	vadd.f32 v14, v12;
	(pc) =	sbr.rel @p0 .LBB2_57-.Ltmp43, $2  }
0x269: {  	_ =	sdelay $0x2  }
0x26a: {  	s18 =	sadd.s32 $0x10, s18;
	vm0 =	vgt.f32 v10, v11  }
.LBB2_58:
.Ltmp44:
0x26b: {  	(pc) =	sbr.rel .LBB2_59-.Ltmp44, $3  }
0x26c: {  	_ =	sdelay $0x1  }
0x26d: {  	v11 =	vsel vm0, $0x3F800000, v5;
	v10 =	vnsel vm0, $0x0, v10  }
0x26e: {  	v9 =	vadd.f32 v11, v9;
	v10 =	vadd.f32 v10, v12  }
.LBB2_55:
0x26f: {  	v10 =	vimm.f32 $0.0e+00  }
.LBB2_59:
0x270: {  	_ = 	snop  }
0x271: {  	v11 =	vperm.xlane v9, v0;
	_ =	sdelay $0x1  }
0x272: {  	v9 =	vadd.f32 v11, v9;
	_ =	sdelay $0x1  }
0x273: {  	v11 =	vperm.xlane v9, v8;
	_ =	sdelay $0x1  }
0x274: {  	v9 =	vadd.f32 v11, v9;
	_ =	sdelay $0x1  }
0x275: {  	v11 =	vperm.xlane v10, v0;
	v12 =	vperm.xlane v9, v6;
	_ =	sdelay $0x1  }
0x276: {  	v10 =	vadd.f32 v11, v10;
	v9 =	vadd.f32 v12, v9;
	_ =	sdelay $0x1  }
0x277: {  	v8 =	vperm.xlane v10, v8;
	v11 =	vperm.xlane v9, v7;
	_ =	sdelay $0x1  }
0x278: {  	v8 =	vadd.f32 v8, v10;
	v9 =	vadd.f32 v11, v9;
	_ =	sdelay $0x1  }
0x279: {  	v6 =	vperm.xlane v8, v6;
	(erf) = vrcp.f32 v9;
	_ =	sdelay $0x1  }
0x27a: {  	v6 =	vadd.f32 v6, v8;
	_ =	sdelay $0x1  }
0x27b: {  	v7 =	vperm.xlane v6, v7;
	_ =	sdelay $0x1  }
0x27c: {  	s17 =	simm.s32 $0x8080;
	v6 =	vadd.f32 v7, v6  }
0x27d: {  	v7 =	vld [tilespmem:s17+$0x70]  }
0x27e: {  	v8 =	vld [tilespmem:s17+$0xFFFFFF90];
	v6 =	vadd.f32 $-1.000000000e+00, v6  }
0x27f: {  	v10 =	vld [tilespmem:s17+$0xFFFFFFA0];
	v9 =	vpop (erf)  }
0x280: {  	v6 =	vmul.f32 v9, v6;
	v9 =	vld [tilespmem:s17+$0xFFFFFFB0]  }
0x281: {  	v11 =	vld [tilespmem:s17+$0xFFFFFFC0]  }
0x282: {  	v12 =	vld [tilespmem:s17+$0xFFFFFFD0];
	v7 =	vsub.f32 v7, v6  }
0x283: {  	v13 =	vld [tilespmem:s17+$0xFFFFFFE0];
	v8 =	vsub.f32 v8, v6  }
0x284: {  	v14 =	vld [tilespmem:s17+$0xFFFFFFF0];
	v10 =	vsub.f32 v10, v6;
	v7 =	vmax.f32 v7, $0.0e+00  }
0x285: {  	v15 =	vld [tilespmem:s17+$0x0];
	v8 =	vmax.f32 v8, $0.0e+00;
	v9 =	vsub.f32 v9, v6;
	[tilespmem:s17+$0x70] =	vst v7  }
0x286: {  	[tilespmem:s17+$0xFFFFFF90] =	vst v8;
	v7 =	vmax.f32 v10, $0.0e+00;
	v8 =	vsub.f32 v11, v6;
	v11 =	vld [tilespmem:s17+$0x10]  }
0x287: {  	v16 =	vld [tilespmem:s17+$0x20];
	[tilespmem:s17+$0xFFFFFFA0] =	vst v7;
	v7 =	vmax.f32 v9, $0.0e+00;
	v9 =	vsub.f32 v12, v6  }
0x288: {  	v10 =	vsub.f32 v13, v6;
	v8 =	vmax.f32 v8, $0.0e+00;
	[tilespmem:s17+$0xFFFFFFB0] =	vst v7;
	v7 =	vld [tilespmem:s17+$0x30]  }
0x289: {  	v12 =	vsub.f32 v14, v6;
	[tilespmem:s17+$0xFFFFFFC0] =	vst v8;
	v8 =	vld [tilespmem:s17+$0x40];
	v9 =	vmax.f32 v9, $0.0e+00  }
0x28a: {  	v13 =	vsub.f32 v15, v6;
	v10 =	vmax.f32 v10, $0.0e+00;
	[tilespmem:s17+$0xFFFFFFD0] =	vst v9;
	v9 =	vld [tilespmem:s17+$0x50]  }
0x28b: {  	[tilespmem:s17+$0xFFFFFFE0] =	vst v10;
	v10 =	vld [tilespmem:s17+$0x60];
	v14 =	vmax.f32 v12, $0.0e+00;
	v12 =	vsub.f32 v11, v6  }
0x28c: {  	s18 =	simm.s32 $0x0;
	s19 =	simm.s32 $0x8180;
	v11 =	vld [tilespmem:s17+$0xFFFFFF80];
	[tilespmem:s17+$0xFFFFFFF0] =	vst v14;
	v14 =	vmax.f32 v13, $0.0e+00;
	v13 =	vsub.f32 v16, v6  }
.LBB2_60:
0x28d: {  	v15 =	vld [tilespmem:s19+$0x70];
	s18 =	sadd.s32 $0x10, s18;
	[tilespmem:s17+$0x0] =	vst v14;
	v12 =	vmax.f32 v12, $0.0e+00;
	v7 =	vsub.f32 v7, v6  }
0x28e: {  	v14 =	vld [tilespmem:s19+$0xFFFFFF90];
	p0 =	slt.u32 s18, $0x7F0;
	[tilespmem:s17+$0x10] =	vst v12;
	v12 =	vmax.f32 v13, $0.0e+00;
	v8 =	vsub.f32 v8, v6  }
0x28f: {  	v13 =	vld [tilespmem:s19+$0xFFFFFFA0];
	[tilespmem:s17+$0x20] =	vst v12;
	v7 =	vmax.f32 v7, $0.0e+00;
	v9 =	vsub.f32 v9, v6  }
0x290: {  	v12 =	vld [tilespmem:s19+$0xFFFFFFB0];
	[tilespmem:s17+$0x30] =	vst v7;
	v7 =	vmax.f32 v8, $0.0e+00;
	v8 =	vsub.f32 v10, v6  }
0x291: {  	v10 =	vld [tilespmem:s19+$0xFFFFFFC0];
	v11 =	vsub.f32 v11, v6;
	[tilespmem:s17+$0x40] =	vst v7;
	v7 =	vmax.f32 v9, $0.0e+00  }
0x292: {  	v9 =	vld [tilespmem:s19+$0xFFFFFFD0];
	v15 =	vsub.f32 v15, v6;
	[tilespmem:s17+$0x50] =	vst v7;
	v7 =	vmax.f32 v8, $0.0e+00  }
0x293: {  	v8 =	vsub.f32 v14, v6;
	v14 =	vld [tilespmem:s19+$0xFFFFFFE0];
	v11 =	vmax.f32 v11, $0.0e+00;
	[tilespmem:s17+$0x60] =	vst v7  }
0x294: {  	v7 =	vsub.f32 v13, v6;
	v13 =	vld [tilespmem:s19+$0xFFFFFFF0];
	v15 =	vmax.f32 v15, $0.0e+00;
	[tilespmem:s17+$0xFFFFFF80] =	vst v11;
	s17 =	smov.u32 s19  }
0x295: {  	v8 =	vmax.f32 v8, $0.0e+00;
	v11 =	vsub.f32 v12, v6;
	v12 =	vld [tilespmem:s19+$0x0];
	[tilespmem:s19+$0x70] =	vst v15  }
0x296: {  	[tilespmem:s19+$0xFFFFFF90] =	vst v8;
	v7 =	vmax.f32 v7, $0.0e+00;
	v8 =	vsub.f32 v10, v6;
	v10 =	vld [tilespmem:s19+$0x10]  }
0x297: {  	[tilespmem:s19+$0xFFFFFFA0] =	vst v7;
	v7 =	vmax.f32 v11, $0.0e+00;
	v9 =	vsub.f32 v9, v6;
	v15 =	vld [tilespmem:s19+$0x20]  }
.Ltmp45:
0x298: {  	[tilespmem:s19+$0xFFFFFFB0] =	vst v7;
	v8 =	vmax.f32 v8, $0.0e+00;
	v11 =	vsub.f32 v14, v6;
	v7 =	vld [tilespmem:s19+$0x30];
	(pc) =	sbr.rel @p0 .LBB2_60-.Ltmp45, $4  }
0x299: {  	[tilespmem:s19+$0xFFFFFFC0] =	vst v8;
	v9 =	vmax.f32 v9, $0.0e+00;
	v13 =	vsub.f32 v13, v6;
	v8 =	vld [tilespmem:s19+$0x40]  }
0x29a: {  	[tilespmem:s19+$0xFFFFFFD0] =	vst v9;
	v11 =	vmax.f32 v11, $0.0e+00;
	v14 =	vsub.f32 v12, v6;
	v9 =	vld [tilespmem:s19+$0x50]  }
0x29b: {  	[tilespmem:s19+$0xFFFFFFE0] =	vst v11;
	v13 =	vmax.f32 v13, $0.0e+00;
	v12 =	vsub.f32 v10, v6;
	v10 =	vld [tilespmem:s19+$0x60]  }
0x29c: {  	s19 =	sadd.s32 $0x100, s19;
	v11 =	vld [tilespmem:s17+$0xFFFFFF80];
	[tilespmem:s17+$0xFFFFFFF0] =	vst v13;
	v14 =	vmax.f32 v14, $0.0e+00;
	v13 =	vsub.f32 v15, v6  }
0x29d: {  	[tilespmem:s17+$0x0] =	vst v14;
	v12 =	vmax.f32 v12, $0.0e+00;
	v7 =	vsub.f32 v7, v6  }
0x29e: {  	[tilespmem:s17+$0x10] =	vst v12;
	v62 =	vmax.f32 v13, $0.0e+00;
	v8 =	vsub.f32 v8, v6  }
0x29f: {  	[tilespmem:s17+$0x20] =	vst v62;
	v7 =	vmax.f32 v7, $0.0e+00;
	v9 =	vsub.f32 v9, v6  }
0x2a0: {  	[tilespmem:s17+$0x30] =	vst v7;
	v7 =	vmax.f32 v8, $0.0e+00;
	v63 =	vsub.f32 v10, v6  }
0x2a1: {  	v6 =	vsub.f32 v11, v6;
	[tilespmem:s17+$0x40] =	vst v7;
	v7 =	vmax.f32 v9, $0.0e+00  }
0x2a2: {  	[tilespmem:s17+$0x50] =	vst v7;
	v7 =	vmax.f32 v63, $0.0e+00  }
0x2a3: {  	v6 =	vmax.f32 v6, $0.0e+00;
	[tilespmem:s17+$0x60] =	vst v7  }
0x2a4: {  	s16 =	sadd.s32 $0x1, s16;
	[tilespmem:s17+$0xFFFFFF80] =	vst v6  }
0x2a5: {  	[hbm4b:s6+s12] =	stream.strided.scatter [tilespmem:s9], [sflag:$0x4], $0x8000, s8, s12, $0x38;
	[tilespmem:$0x18000] =	vst v63  }
0x2a6: {  	p0 =	sne.s32 s16, s7;
	_ =	swait.ge [sflag:s14], $0x8000  }
.Ltmp46:
0x2a7: {  	[sflag:s14] =	ssyncset.done $0x0;
	(pc) =	sbr.rel @p0 .LBB2_1-.Ltmp46, $4  }
0x2a8: {  	[sflag:s14] =	ssyncadd.s32 $0xFFFF8000  }
0x2a9: {  	_ =	swait.ge [sflag:s15], $0x8000  }
0x2aa: {  	[sflag:s15] =	ssyncset.done $0x0  }
0x2ab: {  	[sflag:s15] =	ssyncadd.s32 $0xFFFF8000  }
0x2ac: {  	_ =	sfence.sel $0x180000  }
0x2ad: {  	[bflag:$0x0] =	sbarrier.arrive $0xFFFF  }
0x2ae: {  	p0 =	sne.s32 s0, $0x0;
	_ =	strace $0x90000047  }
0x2af: {  	s0 =	sadd.s32 @!p0 $0x100000, s1;
	[bflag:$0x2] =	sbarrier.arrive $0xFFFF  }
0x2b0: {  	[sflag:s0] =	ssyncadd.tile.s32 @!p0 $0x1;
	_ =	shalt  }
.Lfunc_end2:
_tile_overlayer_lowered:
.L_overlay_start_2:
0x2b1: {  	(tag) =	ssettag $0x2  }
0x2b2: {  	s0 =	rddreg [dreg:$0x0];
	s2 =	stileid.u32  }
0x2b3: {  	s1 =	rddreg [dreg:$0x1];
	p0 =	sne.s32 s2, $0x0  }
0x2b4: {  	s3 =	rddreg [dreg:$0x2];
	[bflag:$0x3] =	sbarrier.arrive $0xFFFF;
	s2 =	simm.s32 @!p0 $0x1C05  }
0x2b5: {  	[timem:s3], [sflag:s2] =	dma.local @!p0 [hbm:s0], s1  }
0x2b6: {  	s0 =	simm.s32 @!p0 $0x5  }
0x2b7: {  	_ =	swait.ge @!p0 [sflag:s0], s1  }
0x2b8: {  	s1 =	ssub.s32 @!p0 $0x0, s1;
	[sflag:s0] =	ssyncset.done @!p0 $0x0  }
0x2b9: {  	[sflag:s0] =	ssyncadd.s32 @!p0 s1  }
0x2ba: {  	[bflag:$0x3] =	sbarrier.arrive $0xFFFF  }
0x2bb: {  	_ =	shalt  }

</sc_bundles>
